<compile_context>
chip_gen: v7x
topology: tpu7x:2x2x1
jax: 0.10.2.dev20260603
libtpu: 0.0.44.dev20260713+nightly
codegen_flags: <defaults>
</compile_context>

<pallas_src>
import functools

import jax
import jax.numpy as jnp
from jax import lax
from jax.experimental import pallas as pl
from jax.experimental.pallas import tpu as pltpu
from jax.experimental.pallas import tpu_sc as plsc


_ROW_BLK = 400
_PAIR_BLK = 2048



def _layer1_body(a_ref, emb_ref, w_ref, x1_ref, a8_ref, x0_scr):
    i = pl.program_id(0)

    @pl.when(i == 0)
    def _():
        x0_scr[...] = jnp.dot(emb_ref[...].astype(jnp.bfloat16), w_ref[0],
                              preferred_element_type=jnp.float32).astype(jnp.bfloat16)

    a = a_ref[...]
    acc = jnp.dot(a.astype(jnp.bfloat16), x0_scr[...],
                  preferred_element_type=jnp.float32)
    h = jnp.maximum(acc, 0.0).astype(jnp.bfloat16)
    x1_ref[...] = jnp.dot(h, w_ref[1],
                          preferred_element_type=jnp.float32).astype(jnp.float8_e4m3fn)
    a8_ref[...] = a.astype(jnp.float8_e4m3fn)


def _layer2_body(a8_ref, x_ref, o_ref):
    acc = jnp.dot(a8_ref[...], x_ref[...],
                  preferred_element_type=jnp.float32)
    o_ref[...] = jnp.maximum(acc, 0.0)



def _mlp_body(se_ref, de_ref, lab_ref, w1_ref, b1_ref, w2_ref, b2_ref, o_ref,
              *, d_model, b_total):
    i = pl.program_id(0)
    w1 = w1_ref[...].astype(jnp.bfloat16)
    h = jnp.dot(se_ref[...].astype(jnp.bfloat16), w1[:d_model],
                preferred_element_type=jnp.float32)
    h += jnp.dot(de_ref[...].astype(jnp.bfloat16), w1[d_model:],
                 preferred_element_type=jnp.float32)
    h = jnp.maximum(h + b1_ref[...], 0.0)
    l = jnp.dot(h, w2_ref[...], preferred_element_type=jnp.float32)
    b2 = b2_ref[...]
    d = (l[:, 1:2] - l[:, 0:1]) + (b2[:, 1:2] - b2[:, 0:1])
    z = jnp.reshape(d * 0.5, (d.shape[0] // 128, 128))
    u = jnp.tanh(z)
    s = 1.0 - 2.0 * lab_ref[...].astype(jnp.float32)
    nll = jnp.log1p(jnp.exp(s * u))
    part = jnp.sum(nll) * (1.0 / b_total)

    @pl.when(i == 0)
    def _():
        o_ref[...] = jnp.zeros_like(o_ref)

    o_ref[...] += part



_SC_WORKERS = 32
_SC_CHUNK = 128


def _make_sc_gather(n_idx, d_model, dtype):
    per_w = n_idx // _SC_WORKERS
    n_chunks = per_w // _SC_CHUNK
    mesh = plsc.VectorSubcoreMesh(core_axis_name="c", subcore_axis_name="s")

    @functools.partial(
        pl.kernel, mesh=mesh,
        out_type=jax.ShapeDtypeStruct((n_idx, d_model), dtype),
        scratch_types=[
            pltpu.VMEM((n_chunks, _SC_CHUNK), jnp.int32),
            pltpu.VMEM((4, _SC_CHUNK, d_model), dtype),
        ] + [pltpu.SemaphoreType.DMA] * 8,
    )
    def _gather(table_hbm, idx_hbm, out_hbm, idx_v, rows_v, *sems):
        wid = lax.axis_index("s") * 2 + lax.axis_index("c")
        base = wid * n_chunks
        pltpu.sync_copy(idx_hbm.at[pl.ds(base, n_chunks)], idx_v)
        gsem = sems[:4]
        osem = sems[4:]
        gathers = [None] * 4
        outs = [None] * 4
        depth = min(3, n_chunks)
        for c in range(depth):
            gathers[c] = pltpu.async_copy(table_hbm.at[idx_v.at[c]],
                                          rows_v.at[c], gsem[c])
        for c in range(n_chunks):
            b = c % 4
            p = c + depth
            if p < n_chunks:
                pb = p % 4
                if outs[pb] is not None:
                    outs[pb].wait()
                    outs[pb] = None
                gathers[pb] = pltpu.async_copy(table_hbm.at[idx_v.at[p]],
                                               rows_v.at[pb], gsem[pb])
            gathers[b].wait()
            outs[b] = pltpu.async_copy(
                rows_v.at[b],
                out_hbm.at[pl.ds((base + c) * _SC_CHUNK, _SC_CHUNK)],
                osem[b])
        for b in range(4):
            if outs[b] is not None:
                outs[b].wait()

    return _gather



def kernel(pairs, labels, A, emb, Ws, W1, b1, W2, b2):
    n, d = emb.shape
    b_pairs = pairs.shape[0]
    wsb = Ws.astype(jnp.bfloat16)

    x1, a8 = pl.pallas_call(
        _layer1_body,
        grid=(n // _ROW_BLK,),
        in_specs=[
            pl.BlockSpec((_ROW_BLK, n), lambda i: (i, 0)),
            pl.BlockSpec((n, d), lambda i: (0, 0)),
            pl.BlockSpec((2, d, d), lambda i: (0, 0, 0)),
        ],
        out_specs=[pl.BlockSpec((_ROW_BLK, d), lambda i: (i, 0)),
                   pl.BlockSpec((_ROW_BLK, n), lambda i: (i, 0))],
        out_shape=[jax.ShapeDtypeStruct((n, d), jnp.float8_e4m3fn),
                   jax.ShapeDtypeStruct((n, n), jnp.float8_e4m3fn)],
        scratch_shapes=[pltpu.VMEM((n, d), jnp.bfloat16)],
        compiler_params=pltpu.CompilerParams(
            vmem_limit_bytes=60 * 1024 * 1024,
        ),
    )(A, emb, wsb)

    h2 = pl.pallas_call(
        _layer2_body,
        grid=(n // (_ROW_BLK * 5),),
        in_specs=[
            pl.BlockSpec((_ROW_BLK * 5, n), lambda i: (i, 0)),
            pl.BlockSpec((n, d), lambda i: (0, 0)),
        ],
        out_specs=pl.BlockSpec((_ROW_BLK * 5, d), lambda i: (i, 0)),
        out_shape=jax.ShapeDtypeStruct((n, d), jnp.float32),
        compiler_params=pltpu.CompilerParams(
            vmem_limit_bytes=60 * 1024 * 1024,
        ),
    )(a8, x1)

    idx = jnp.concatenate([pairs[:, 0], pairs[:, 1]]).astype(jnp.int32)
    gathered = _make_sc_gather(2 * b_pairs, d, jnp.float32)(
        h2, idx.reshape(-1, _SC_CHUNK))

    n_blk = b_pairs // _PAIR_BLK
    loss = pl.pallas_call(
        functools.partial(_mlp_body, d_model=d, b_total=float(b_pairs)),
        grid=(n_blk,),
        in_specs=[
            pl.BlockSpec((_PAIR_BLK, d), lambda i: (i, 0)),
            pl.BlockSpec((_PAIR_BLK, d), lambda i: (n_blk + i, 0)),
            pl.BlockSpec((_PAIR_BLK // 128, 128), lambda i: (i, 0)),
            pl.BlockSpec((2 * d, d), lambda i: (0, 0)),
            pl.BlockSpec((1, d), lambda i: (0, 0)),
            pl.BlockSpec((d, 2), lambda i: (0, 0)),
            pl.BlockSpec((1, 2), lambda i: (0, 0)),
        ],
        out_specs=pl.BlockSpec((1, 1), lambda i: (0, 0)),
        out_shape=jax.ShapeDtypeStruct((1, 1), jnp.float32),
    )(gathered, gathered, labels.astype(jnp.int32).reshape(b_pairs // 128, 128),
      W1, b1.reshape(1, d), W2, b2.reshape(1, 2))

    return loss.reshape(())

# --- scband reference (transcript-rebuilt; emitter-appended) ---
"""Pipeline reference for scband-mih-gnnembedding5-4947802325009 (READ-ONLY COPY).

The authoritative reference and input builder live on the scoring server;
editing this copy changes nothing except your own understanding.
"""

import jax, jax.numpy as jnp
import numpy as np

N = 10000
D = 128
LAYERS = 2
AVG_DEG = 16
B = 16384


def setup_inputs(seed: int = 0) -> dict:
    key = jax.random.key(seed)
    ks = jax.random.split(key, 12)
    E = N * AVG_DEG
    src = jax.random.randint(ks[0], (E,), 0, N)
    dst = jax.random.randint(ks[1], (E,), 0, N)
    # Matrix_pre_handle approximation: dense row-normalized adjacency with self loops
    A = jnp.zeros((N, N), jnp.float32).at[src, dst].add(1.0)
    A = A + jnp.eye(N, dtype=jnp.float32)
    deg = jnp.clip(A.sum(axis=1, keepdims=True), 1.0, None)
    A = A / deg
    # learned initial embedding states (numpy.random.randn(N, d) in the original)
    emb = jax.random.normal(ks[2], (N, D), dtype=jnp.float32)
    # per-layer GNN convolution weights
    Ws = jax.random.normal(ks[3], (LAYERS, D, D), dtype=jnp.float32) * (1.0 / np.sqrt(D))
    # LineNetwork: input 2d -> hidden d -> output 2
    W1 = jax.random.normal(ks[4], (2 * D, D), dtype=jnp.float32) * (1.0 / np.sqrt(2 * D))
    b1 = jnp.zeros((D,), jnp.float32)
    W2 = jax.random.normal(ks[5], (D, 2), dtype=jnp.float32) * (1.0 / np.sqrt(D))
    b2 = jnp.zeros((2,), jnp.float32)
    pairs = jax.random.randint(ks[6], (B, 2), 0, N)
    labels = jax.random.randint(ks[7], (B,), 0, 2)
    return {"pairs": pairs, "labels": labels, "A": A, "emb": emb, "Ws": Ws,
            "W1": W1, "b1": b1, "W2": W2, "b2": b2}


def reference(pairs, labels, A, emb, Ws, W1, b1, W2, b2):
    # GNNAggregationForNegativeModule: `layers` rounds of dense-A message passing,
    # then gather node embeddings at the requested indexes.
    H = emb
    for l in range(Ws.shape[0]):
        H = jax.nn.relu(A @ (H @ Ws[l]))
    src = pairs[:, 0]
    dst = pairs[:, 1]
    src_emb = jnp.take(H, src, axis=0)
    dst_emb = jnp.take(H, dst, axis=0)
    liner_input = jnp.concatenate([src_emb, dst_emb], axis=1)
    h = jax.nn.relu(liner_input @ W1 + b1)
    out = h @ W2 + b2
    # original applies Softmax then CrossEntropyLoss (which log-softmaxes again)
    probs = jax.nn.softmax(out, axis=1)
    logp = jax.nn.log_softmax(probs, axis=1)
    nll = -jnp.take_along_axis(logp, labels[:, None], axis=1)[:, 0]
    return jnp.mean(nll)

if __name__ == "__main__":
    import jax
    _d = setup_inputs()
    print(jax.jit(kernel)(*tuple(_d.values())))

</pallas_src>

<mosaic_0001>
#map = affine_map<(d0, d1) -> (0, 0)>
module attributes {stable_mosaic.version = 14 : i64} {
  func.func @_gather(%arg0: i32, %arg1: i32, %arg2: memref<10000x128xf32, #tpu.memory_space<hbm>>, %arg3: memref<256x128xi32, #tpu.memory_space<hbm>>, %arg4: memref<32768x128xf32, #tpu.memory_space<hbm>>, %arg5: memref<8x128xi32, #tpu.memory_space<vmem>>, %arg6: memref<4x128x128xf32, #tpu.memory_space<vmem>>, %arg7: memref<!tpu.dma_semaphore, #tpu.memory_space<semaphore_mem>>, %arg8: memref<!tpu.dma_semaphore, #tpu.memory_space<semaphore_mem>>, %arg9: memref<!tpu.dma_semaphore, #tpu.memory_space<semaphore_mem>>, %arg10: memref<!tpu.dma_semaphore, #tpu.memory_space<semaphore_mem>>, %arg11: memref<!tpu.dma_semaphore, #tpu.memory_space<semaphore_mem>>, %arg12: memref<!tpu.dma_semaphore, #tpu.memory_space<semaphore_mem>>, %arg13: memref<!tpu.dma_semaphore, #tpu.memory_space<semaphore_mem>>, %arg14: memref<!tpu.dma_semaphore, #tpu.memory_space<semaphore_mem>>) attributes {dimension_semantics = [#tpu.dimension_semantics<core_parallel>, #tpu.dimension_semantics<subcore_parallel>], iteration_bounds = array<i64: 2, 16>, scalar_prefetch = 0 : i64, scratch_operands = 10 : i64, tpu.core_type = #tpu.core_type<sc_vector_subcore>, window_params = [{transform_indices = #map}, {transform_indices = #map}, {transform_indices = #map}]} {
    %mul3A = arith.constant 2 : i32
    %mul3A_0 = arith.muli %arg1, %mul3A : i32
    %add3A = arith.addi %mul3A_0, %arg0 : i32
    %mul3A_1 = arith.constant 8 : i32
    %mul3A_2 = arith.muli %add3A, %mul3A_1 : i32
    "tpu.region"() ({
      %run_scoped3A = tpu.sem_alloc : memref<!tpu.dma_semaphore, #tpu.memory_space<semaphore_mem>>
      %dma_start3A_433 = arith.constant 0 : i32
      %dma_start3A_434 = tpu.memref_slice %arg3[%mul3A_2, %dma_start3A_433] : memref<256x128xi32, #tpu.memory_space<hbm>> -> memref<8x128xi32, #tpu.memory_space<hbm>>
      %dma_start3A_435 = arith.constant 0 : i32
      %dma_start3A_436 = tpu.memref_slice %arg3[%mul3A_2, %dma_start3A_435] : memref<256x128xi32, #tpu.memory_space<hbm>> -> memref<8x128xi32, #tpu.memory_space<hbm>>
      tpu.enqueue_dma source(%dma_start3A_436 : memref<8x128xi32, #tpu.memory_space<hbm>>) target(%arg5 : memref<8x128xi32, #tpu.memory_space<vmem>>) target_semaphore(%run_scoped3A : memref<!tpu.dma_semaphore, #tpu.memory_space<semaphore_mem>>)
      %dma_wait3A_437 = arith.constant 0 : i32
      %dma_wait3A_438 = tpu.memref_slice %arg3[%mul3A_2, %dma_wait3A_437] : memref<256x128xi32, #tpu.memory_space<hbm>> -> memref<8x128xi32, #tpu.memory_space<hbm>>
      %dma_wait3A_439 = arith.constant 0 : i32
      %dma_wait3A_440 = tpu.memref_slice %arg3[%mul3A_2, %dma_wait3A_439] : memref<256x128xi32, #tpu.memory_space<hbm>> -> memref<8x128xi32, #tpu.memory_space<hbm>>
      tpu.wait_dma2 semaphore(%run_scoped3A : memref<!tpu.dma_semaphore, #tpu.memory_space<semaphore_mem>>) src(%dma_wait3A_440 : memref<8x128xi32, #tpu.memory_space<hbm>>) dst(%arg5 : memref<8x128xi32, #tpu.memory_space<vmem>>)
      tpu.yield
    }) : () -> ()
    %dma_start3A = arith.constant 0 : i32
    %dma_start3A_3 = arith.constant 0 : i32
    %dma_start3A_4 = arith.constant 0 : i32
    %dma_start3A_5 = arith.constant 0 : i32
    %dma_start3A_6 = tpu.memref_slice %arg6[%dma_start3A_3, %dma_start3A_4, %dma_start3A_5] : memref<4x128x128xf32, #tpu.memory_space<vmem>> -> memref<1x128x128xf32, #tpu.memory_space<vmem>>
    %dma_start3A_7 = tpu.memref_squeeze %dma_start3A_6 : memref<1x128x128xf32, #tpu.memory_space<vmem>> -> memref<128x128xf32, #tpu.memory_space<vmem>>
    %dma_start3A_8 = arith.constant 0 : i32
    %dma_start3A_9 = tpu.memref_slice %arg5[%dma_start3A, %dma_start3A_8] : memref<8x128xi32, #tpu.memory_space<vmem>> -> memref<1x128xi32, #tpu.memory_space<vmem>>
    %dma_start3A_10 = tpu.memref_squeeze %dma_start3A_9 : memref<1x128xi32, #tpu.memory_space<vmem>> -> memref<128xi32, #tpu.memory_space<vmem>>
    %dma_start3A_11 = arith.constant 0 : i32
    %dma_start3A_12 = arith.constant 0 : i32
    %dma_start3A_13 = tpu.memref_slice %arg2[%dma_start3A_11, %dma_start3A_12] : memref<10000x128xf32, #tpu.memory_space<hbm>> -> memref<10000x128xf32, #tpu.memory_space<hbm>>
    tpu.enqueue_indirect_dma source(%dma_start3A_13 : memref<10000x128xf32, #tpu.memory_space<hbm>>) target(%dma_start3A_7 : memref<128x128xf32, #tpu.memory_space<vmem>>) offsets(%dma_start3A_10 : memref<128xi32, #tpu.memory_space<vmem>>) semaphore(%arg7 : memref<!tpu.dma_semaphore, #tpu.memory_space<semaphore_mem>>)
    %dma_start3A_14 = arith.constant 1 : i32
    %dma_start3A_15 = arith.constant 1 : i32
    %dma_start3A_16 = arith.constant 0 : i32
    %dma_start3A_17 = arith.constant 0 : i32
    %dma_start3A_18 = tpu.memref_slice %arg6[%dma_start3A_15, %dma_start3A_16, %dma_start3A_17] : memref<4x128x128xf32, #tpu.memory_space<vmem>> -> memref<1x128x128xf32, #tpu.memory_space<vmem>>
    %dma_start3A_19 = tpu.memref_squeeze %dma_start3A_18 : memref<1x128x128xf32, #tpu.memory_space<vmem>> -> memref<128x128xf32, #tpu.memory_space<vmem>>
    %dma_start3A_20 = arith.constant 0 : i32
    %dma_start3A_21 = tpu.memref_slice %arg5[%dma_start3A_14, %dma_start3A_20] : memref<8x128xi32, #tpu.memory_space<vmem>> -> memref<1x128xi32, #tpu.memory_space<vmem>>
    %dma_start3A_22 = tpu.memref_squeeze %dma_start3A_21 : memref<1x128xi32, #tpu.memory_space<vmem>> -> memref<128xi32, #tpu.memory_space<vmem>>
    %dma_start3A_23 = arith.constant 0 : i32
    %dma_start3A_24 = arith.constant 0 : i32
    %dma_start3A_25 = tpu.memref_slice %arg2[%dma_start3A_23, %dma_start3A_24] : memref<10000x128xf32, #tpu.memory_space<hbm>> -> memref<10000x128xf32, #tpu.memory_space<hbm>>
    tpu.enqueue_indirect_dma source(%dma_start3A_25 : memref<10000x128xf32, #tpu.memory_space<hbm>>) target(%dma_start3A_19 : memref<128x128xf32, #tpu.memory_space<vmem>>) offsets(%dma_start3A_22 : memref<128xi32, #tpu.memory_space<vmem>>) semaphore(%arg8 : memref<!tpu.dma_semaphore, #tpu.memory_space<semaphore_mem>>)
    %dma_start3A_26 = arith.constant 2 : i32
    %dma_start3A_27 = arith.constant 2 : i32
    %dma_start3A_28 = arith.constant 0 : i32
    %dma_start3A_29 = arith.constant 0 : i32
    %dma_start3A_30 = tpu.memref_slice %arg6[%dma_start3A_27, %dma_start3A_28, %dma_start3A_29] : memref<4x128x128xf32, #tpu.memory_space<vmem>> -> memref<1x128x128xf32, #tpu.memory_space<vmem>>
    %dma_start3A_31 = tpu.memref_squeeze %dma_start3A_30 : memref<1x128x128xf32, #tpu.memory_space<vmem>> -> memref<128x128xf32, #tpu.memory_space<vmem>>
    %dma_start3A_32 = arith.constant 0 : i32
    %dma_start3A_33 = tpu.memref_slice %arg5[%dma_start3A_26, %dma_start3A_32] : memref<8x128xi32, #tpu.memory_space<vmem>> -> memref<1x128xi32, #tpu.memory_space<vmem>>
    %dma_start3A_34 = tpu.memref_squeeze %dma_start3A_33 : memref<1x128xi32, #tpu.memory_space<vmem>> -> memref<128xi32, #tpu.memory_space<vmem>>
    %dma_start3A_35 = arith.constant 0 : i32
    %dma_start3A_36 = arith.constant 0 : i32
    %dma_start3A_37 = tpu.memref_slice %arg2[%dma_start3A_35, %dma_start3A_36] : memref<10000x128xf32, #tpu.memory_space<hbm>> -> memref<10000x128xf32, #tpu.memory_space<hbm>>
    tpu.enqueue_indirect_dma source(%dma_start3A_37 : memref<10000x128xf32, #tpu.memory_space<hbm>>) target(%dma_start3A_31 : memref<128x128xf32, #tpu.memory_space<vmem>>) offsets(%dma_start3A_34 : memref<128xi32, #tpu.memory_space<vmem>>) semaphore(%arg9 : memref<!tpu.dma_semaphore, #tpu.memory_space<semaphore_mem>>)
    %dma_start3A_38 = arith.constant 3 : i32
    %dma_start3A_39 = arith.constant 3 : i32
    %dma_start3A_40 = arith.constant 0 : i32
    %dma_start3A_41 = arith.constant 0 : i32
    %dma_start3A_42 = tpu.memref_slice %arg6[%dma_start3A_39, %dma_start3A_40, %dma_start3A_41] : memref<4x128x128xf32, #tpu.memory_space<vmem>> -> memref<1x128x128xf32, #tpu.memory_space<vmem>>
    %dma_start3A_43 = tpu.memref_squeeze %dma_start3A_42 : memref<1x128x128xf32, #tpu.memory_space<vmem>> -> memref<128x128xf32, #tpu.memory_space<vmem>>
    %dma_start3A_44 = arith.constant 0 : i32
    %dma_start3A_45 = tpu.memref_slice %arg5[%dma_start3A_38, %dma_start3A_44] : memref<8x128xi32, #tpu.memory_space<vmem>> -> memref<1x128xi32, #tpu.memory_space<vmem>>
    %dma_start3A_46 = tpu.memref_squeeze %dma_start3A_45 : memref<1x128xi32, #tpu.memory_space<vmem>> -> memref<128xi32, #tpu.memory_space<vmem>>
    %dma_start3A_47 = arith.constant 0 : i32
    %dma_start3A_48 = arith.constant 0 : i32
    %dma_start3A_49 = tpu.memref_slice %arg2[%dma_start3A_47, %dma_start3A_48] : memref<10000x128xf32, #tpu.memory_space<hbm>> -> memref<10000x128xf32, #tpu.memory_space<hbm>>
    tpu.enqueue_indirect_dma source(%dma_start3A_49 : memref<10000x128xf32, #tpu.memory_space<hbm>>) target(%dma_start3A_43 : memref<128x128xf32, #tpu.memory_space<vmem>>) offsets(%dma_start3A_46 : memref<128xi32, #tpu.memory_space<vmem>>) semaphore(%arg10 : memref<!tpu.dma_semaphore, #tpu.memory_space<semaphore_mem>>)
    %dma_wait3A = arith.constant 0 : i32
    %dma_wait3A_50 = arith.constant 0 : i32
    %dma_wait3A_51 = arith.constant 0 : i32
    %dma_wait3A_52 = arith.constant 0 : i32
    %dma_wait3A_53 = tpu.memref_slice %arg6[%dma_wait3A_50, %dma_wait3A_51, %dma_wait3A_52] : memref<4x128x128xf32, #tpu.memory_space<vmem>> -> memref<1x128x128xf32, #tpu.memory_space<vmem>>
    %dma_wait3A_54 = tpu.memref_squeeze %dma_wait3A_53 : memref<1x128x128xf32, #tpu.memory_space<vmem>> -> memref<128x128xf32, #tpu.memory_space<vmem>>
    %dma_wait3A_55 = arith.constant 0 : i32
    %dma_wait3A_56 = tpu.memref_slice %arg5[%dma_wait3A, %dma_wait3A_55] : memref<8x128xi32, #tpu.memory_space<vmem>> -> memref<1x128xi32, #tpu.memory_space<vmem>>
    %dma_wait3A_57 = tpu.memref_squeeze %dma_wait3A_56 : memref<1x128xi32, #tpu.memory_space<vmem>> -> memref<128xi32, #tpu.memory_space<vmem>>
    %dma_wait3A_58 = arith.constant 0 : i32
    %dma_wait3A_59 = arith.constant 0 : i32
    %dma_wait3A_60 = tpu.memref_slice %arg2[%dma_wait3A_58, %dma_wait3A_59] : memref<10000x128xf32, #tpu.memory_space<hbm>> -> memref<10000x128xf32, #tpu.memory_space<hbm>>
    tpu.wait_indirect_dma semaphore(%arg7 : memref<!tpu.dma_semaphore, #tpu.memory_space<semaphore_mem>>) src(%dma_wait3A_60 : memref<10000x128xf32, #tpu.memory_space<hbm>>) dst(%dma_wait3A_54 : memref<128x128xf32, #tpu.memory_space<vmem>>)
    %add3A_61 = arith.constant 0 : i32
    %add3A_62 = arith.addi %mul3A_2, %add3A_61 : i32
    %mul3A_63 = arith.constant 128 : i32
    %mul3A_64 = arith.muli %add3A_62, %mul3A_63 : i32
    %dma_start3A_65 = arith.constant 0 : i32
    %dma_start3A_66 = arith.constant 0 : i32
    %dma_start3A_67 = arith.constant 0 : i32
    %dma_start3A_68 = tpu.memref_slice %arg6[%dma_start3A_65, %dma_start3A_66, %dma_start3A_67] : memref<4x128x128xf32, #tpu.memory_space<vmem>> -> memref<1x128x128xf32, #tpu.memory_space<vmem>>
    %dma_start3A_69 = tpu.memref_squeeze %dma_start3A_68 : memref<1x128x128xf32, #tpu.memory_space<vmem>> -> memref<128x128xf32, #tpu.memory_space<vmem>>
    %dma_start3A_70 = arith.constant 0 : i32
    %dma_start3A_71 = tpu.memref_slice %arg4[%mul3A_64, %dma_start3A_70] : memref<32768x128xf32, #tpu.memory_space<hbm>> -> memref<128x128xf32, #tpu.memory_space<hbm>>
    %dma_start3A_72 = arith.constant 0 : i32
    %dma_start3A_73 = tpu.memref_slice %arg4[%mul3A_64, %dma_start3A_72] : memref<32768x128xf32, #tpu.memory_space<hbm>> -> memref<128x128xf32, #tpu.memory_space<hbm>>
    %dma_start3A_74 = arith.constant 0 : i32
    %dma_start3A_75 = arith.constant 0 : i32
    %dma_start3A_76 = tpu.memref_slice %arg6[%dma_start3A_65, %dma_start3A_74, %dma_start3A_75] : memref<4x128x128xf32, #tpu.memory_space<vmem>> -> memref<1x128x128xf32, #tpu.memory_space<vmem>>
    %dma_start3A_77 = tpu.memref_squeeze %dma_start3A_76 : memref<1x128x128xf32, #tpu.memory_space<vmem>> -> memref<128x128xf32, #tpu.memory_space<vmem>>
    tpu.enqueue_dma source(%dma_start3A_77 : memref<128x128xf32, #tpu.memory_space<vmem>>) target(%dma_start3A_73 : memref<128x128xf32, #tpu.memory_space<hbm>>) target_semaphore(%arg11 : memref<!tpu.dma_semaphore, #tpu.memory_space<semaphore_mem>>)
    %dma_wait3A_78 = arith.constant 0 : i32
    %dma_wait3A_79 = arith.constant 0 : i32
    %dma_wait3A_80 = arith.constant 0 : i32
    %dma_wait3A_81 = tpu.memref_slice %arg6[%dma_wait3A_78, %dma_wait3A_79, %dma_wait3A_80] : memref<4x128x128xf32, #tpu.memory_space<vmem>> -> memref<1x128x128xf32, #tpu.memory_space<vmem>>
    %dma_wait3A_82 = tpu.memref_squeeze %dma_wait3A_81 : memref<1x128x128xf32, #tpu.memory_space<vmem>> -> memref<128x128xf32, #tpu.memory_space<vmem>>
    %dma_wait3A_83 = arith.constant 0 : i32
    %dma_wait3A_84 = tpu.memref_slice %arg4[%mul3A_64, %dma_wait3A_83] : memref<32768x128xf32, #tpu.memory_space<hbm>> -> memref<128x128xf32, #tpu.memory_space<hbm>>
    %dma_wait3A_85 = arith.constant 0 : i32
    %dma_wait3A_86 = tpu.memref_slice %arg4[%mul3A_64, %dma_wait3A_85] : memref<32768x128xf32, #tpu.memory_space<hbm>> -> memref<128x128xf32, #tpu.memory_space<hbm>>
    %dma_wait3A_87 = arith.constant 0 : i32
    %dma_wait3A_88 = arith.constant 0 : i32
    %dma_wait3A_89 = tpu.memref_slice %arg6[%dma_wait3A_78, %dma_wait3A_87, %dma_wait3A_88] : memref<4x128x128xf32, #tpu.memory_space<vmem>> -> memref<1x128x128xf32, #tpu.memory_space<vmem>>
    %dma_wait3A_90 = tpu.memref_squeeze %dma_wait3A_89 : memref<1x128x128xf32, #tpu.memory_space<vmem>> -> memref<128x128xf32, #tpu.memory_space<vmem>>
    tpu.wait_dma2 semaphore(%arg11 : memref<!tpu.dma_semaphore, #tpu.memory_space<semaphore_mem>>) src(%dma_wait3A_90 : memref<128x128xf32, #tpu.memory_space<vmem>>) dst(%dma_wait3A_86 : memref<128x128xf32, #tpu.memory_space<hbm>>)
    %dma_start3A_91 = arith.constant 4 : i32
    %dma_start3A_92 = arith.constant 0 : i32
    %dma_start3A_93 = arith.constant 0 : i32
    %dma_start3A_94 = arith.constant 0 : i32
    %dma_start3A_95 = tpu.memref_slice %arg6[%dma_start3A_92, %dma_start3A_93, %dma_start3A_94] : memref<4x128x128xf32, #tpu.memory_space<vmem>> -> memref<1x128x128xf32, #tpu.memory_space<vmem>>
    %dma_start3A_96 = tpu.memref_squeeze %dma_start3A_95 : memref<1x128x128xf32, #tpu.memory_space<vmem>> -> memref<128x128xf32, #tpu.memory_space<vmem>>
    %dma_start3A_97 = arith.constant 0 : i32
    %dma_start3A_98 = tpu.memref_slice %arg5[%dma_start3A_91, %dma_start3A_97] : memref<8x128xi32, #tpu.memory_space<vmem>> -> memref<1x128xi32, #tpu.memory_space<vmem>>
    %dma_start3A_99 = tpu.memref_squeeze %dma_start3A_98 : memref<1x128xi32, #tpu.memory_space<vmem>> -> memref<128xi32, #tpu.memory_space<vmem>>
    %dma_start3A_100 = arith.constant 0 : i32
    %dma_start3A_101 = arith.constant 0 : i32
    %dma_start3A_102 = tpu.memref_slice %arg2[%dma_start3A_100, %dma_start3A_101] : memref<10000x128xf32, #tpu.memory_space<hbm>> -> memref<10000x128xf32, #tpu.memory_space<hbm>>
    tpu.enqueue_indirect_dma source(%dma_start3A_102 : memref<10000x128xf32, #tpu.memory_space<hbm>>) target(%dma_start3A_96 : memref<128x128xf32, #tpu.memory_space<vmem>>) offsets(%dma_start3A_99 : memref<128xi32, #tpu.memory_space<vmem>>) semaphore(%arg7 : memref<!tpu.dma_semaphore, #tpu.memory_space<semaphore_mem>>)
    %dma_wait3A_103 = arith.constant 1 : i32
    %dma_wait3A_104 = arith.constant 1 : i32
    %dma_wait3A_105 = arith.constant 0 : i32
    %dma_wait3A_106 = arith.constant 0 : i32
    %dma_wait3A_107 = tpu.memref_slice %arg6[%dma_wait3A_104, %dma_wait3A_105, %dma_wait3A_106] : memref<4x128x128xf32, #tpu.memory_space<vmem>> -> memref<1x128x128xf32, #tpu.memory_space<vmem>>
    %dma_wait3A_108 = tpu.memref_squeeze %dma_wait3A_107 : memref<1x128x128xf32, #tpu.memory_space<vmem>> -> memref<128x128xf32, #tpu.memory_space<vmem>>
    %dma_wait3A_109 = arith.constant 0 : i32
    %dma_wait3A_110 = tpu.memref_slice %arg5[%dma_wait3A_103, %dma_wait3A_109] : memref<8x128xi32, #tpu.memory_space<vmem>> -> memref<1x128xi32, #tpu.memory_space<vmem>>
    %dma_wait3A_111 = tpu.memref_squeeze %dma_wait3A_110 : memref<1x128xi32, #tpu.memory_space<vmem>> -> memref<128xi32, #tpu.memory_space<vmem>>
    %dma_wait3A_112 = arith.constant 0 : i32
    %dma_wait3A_113 = arith.constant 0 : i32
    %dma_wait3A_114 = tpu.memref_slice %arg2[%dma_wait3A_112, %dma_wait3A_113] : memref<10000x128xf32, #tpu.memory_space<hbm>> -> memref<10000x128xf32, #tpu.memory_space<hbm>>
    tpu.wait_indirect_dma semaphore(%arg8 : memref<!tpu.dma_semaphore, #tpu.memory_space<semaphore_mem>>) src(%dma_wait3A_114 : memref<10000x128xf32, #tpu.memory_space<hbm>>) dst(%dma_wait3A_108 : memref<128x128xf32, #tpu.memory_space<vmem>>)
    %add3A_115 = arith.constant 1 : i32
    %add3A_116 = arith.addi %mul3A_2, %add3A_115 : i32
    %mul3A_117 = arith.constant 128 : i32
    %mul3A_118 = arith.muli %add3A_116, %mul3A_117 : i32
    %dma_start3A_119 = arith.constant 1 : i32
    %dma_start3A_120 = arith.constant 0 : i32
    %dma_start3A_121 = arith.constant 0 : i32
    %dma_start3A_122 = tpu.memref_slice %arg6[%dma_start3A_119, %dma_start3A_120, %dma_start3A_121] : memref<4x128x128xf32, #tpu.memory_space<vmem>> -> memref<1x128x128xf32, #tpu.memory_space<vmem>>
    %dma_start3A_123 = tpu.memref_squeeze %dma_start3A_122 : memref<1x128x128xf32, #tpu.memory_space<vmem>> -> memref<128x128xf32, #tpu.memory_space<vmem>>
    %dma_start3A_124 = arith.constant 0 : i32
    %dma_start3A_125 = tpu.memref_slice %arg4[%mul3A_118, %dma_start3A_124] : memref<32768x128xf32, #tpu.memory_space<hbm>> -> memref<128x128xf32, #tpu.memory_space<hbm>>
    %dma_start3A_126 = arith.constant 0 : i32
    %dma_start3A_127 = tpu.memref_slice %arg4[%mul3A_118, %dma_start3A_126] : memref<32768x128xf32, #tpu.memory_space<hbm>> -> memref<128x128xf32, #tpu.memory_space<hbm>>
    %dma_start3A_128 = arith.constant 0 : i32
    %dma_start3A_129 = arith.constant 0 : i32
    %dma_start3A_130 = tpu.memref_slice %arg6[%dma_start3A_119, %dma_start3A_128, %dma_start3A_129] : memref<4x128x128xf32, #tpu.memory_space<vmem>> -> memref<1x128x128xf32, #tpu.memory_space<vmem>>
    %dma_start3A_131 = tpu.memref_squeeze %dma_start3A_130 : memref<1x128x128xf32, #tpu.memory_space<vmem>> -> memref<128x128xf32, #tpu.memory_space<vmem>>
    tpu.enqueue_dma source(%dma_start3A_131 : memref<128x128xf32, #tpu.memory_space<vmem>>) target(%dma_start3A_127 : memref<128x128xf32, #tpu.memory_space<hbm>>) target_semaphore(%arg12 : memref<!tpu.dma_semaphore, #tpu.memory_space<semaphore_mem>>)
    %dma_wait3A_132 = arith.constant 1 : i32
    %dma_wait3A_133 = arith.constant 0 : i32
    %dma_wait3A_134 = arith.constant 0 : i32
    %dma_wait3A_135 = tpu.memref_slice %arg6[%dma_wait3A_132, %dma_wait3A_133, %dma_wait3A_134] : memref<4x128x128xf32, #tpu.memory_space<vmem>> -> memref<1x128x128xf32, #tpu.memory_space<vmem>>
    %dma_wait3A_136 = tpu.memref_squeeze %dma_wait3A_135 : memref<1x128x128xf32, #tpu.memory_space<vmem>> -> memref<128x128xf32, #tpu.memory_space<vmem>>
    %dma_wait3A_137 = arith.constant 0 : i32
    %dma_wait3A_138 = tpu.memref_slice %arg4[%mul3A_118, %dma_wait3A_137] : memref<32768x128xf32, #tpu.memory_space<hbm>> -> memref<128x128xf32, #tpu.memory_space<hbm>>
    %dma_wait3A_139 = arith.constant 0 : i32
    %dma_wait3A_140 = tpu.memref_slice %arg4[%mul3A_118, %dma_wait3A_139] : memref<32768x128xf32, #tpu.memory_space<hbm>> -> memref<128x128xf32, #tpu.memory_space<hbm>>
    %dma_wait3A_141 = arith.constant 0 : i32
    %dma_wait3A_142 = arith.constant 0 : i32
    %dma_wait3A_143 = tpu.memref_slice %arg6[%dma_wait3A_132, %dma_wait3A_141, %dma_wait3A_142] : memref<4x128x128xf32, #tpu.memory_space<vmem>> -> memref<1x128x128xf32, #tpu.memory_space<vmem>>
    %dma_wait3A_144 = tpu.memref_squeeze %dma_wait3A_143 : memref<1x128x128xf32, #tpu.memory_space<vmem>> -> memref<128x128xf32, #tpu.memory_space<vmem>>
    tpu.wait_dma2 semaphore(%arg12 : memref<!tpu.dma_semaphore, #tpu.memory_space<semaphore_mem>>) src(%dma_wait3A_144 : memref<128x128xf32, #tpu.memory_space<vmem>>) dst(%dma_wait3A_140 : memref<128x128xf32, #tpu.memory_space<hbm>>)
    %dma_start3A_145 = arith.constant 5 : i32
    %dma_start3A_146 = arith.constant 1 : i32
    %dma_start3A_147 = arith.constant 0 : i32
    %dma_start3A_148 = arith.constant 0 : i32
    %dma_start3A_149 = tpu.memref_slice %arg6[%dma_start3A_146, %dma_start3A_147, %dma_start3A_148] : memref<4x128x128xf32, #tpu.memory_space<vmem>> -> memref<1x128x128xf32, #tpu.memory_space<vmem>>
    %dma_start3A_150 = tpu.memref_squeeze %dma_start3A_149 : memref<1x128x128xf32, #tpu.memory_space<vmem>> -> memref<128x128xf32, #tpu.memory_space<vmem>>
    %dma_start3A_151 = arith.constant 0 : i32
    %dma_start3A_152 = tpu.memref_slice %arg5[%dma_start3A_145, %dma_start3A_151] : memref<8x128xi32, #tpu.memory_space<vmem>> -> memref<1x128xi32, #tpu.memory_space<vmem>>
    %dma_start3A_153 = tpu.memref_squeeze %dma_start3A_152 : memref<1x128xi32, #tpu.memory_space<vmem>> -> memref<128xi32, #tpu.memory_space<vmem>>
    %dma_start3A_154 = arith.constant 0 : i32
    %dma_start3A_155 = arith.constant 0 : i32
    %dma_start3A_156 = tpu.memref_slice %arg2[%dma_start3A_154, %dma_start3A_155] : memref<10000x128xf32, #tpu.memory_space<hbm>> -> memref<10000x128xf32, #tpu.memory_space<hbm>>
    tpu.enqueue_indirect_dma source(%dma_start3A_156 : memref<10000x128xf32, #tpu.memory_space<hbm>>) target(%dma_start3A_150 : memref<128x128xf32, #tpu.memory_space<vmem>>) offsets(%dma_start3A_153 : memref<128xi32, #tpu.memory_space<vmem>>) semaphore(%arg8 : memref<!tpu.dma_semaphore, #tpu.memory_space<semaphore_mem>>)
    %dma_wait3A_157 = arith.constant 2 : i32
    %dma_wait3A_158 = arith.constant 2 : i32
    %dma_wait3A_159 = arith.constant 0 : i32
    %dma_wait3A_160 = arith.constant 0 : i32
    %dma_wait3A_161 = tpu.memref_slice %arg6[%dma_wait3A_158, %dma_wait3A_159, %dma_wait3A_160] : memref<4x128x128xf32, #tpu.memory_space<vmem>> -> memref<1x128x128xf32, #tpu.memory_space<vmem>>
    %dma_wait3A_162 = tpu.memref_squeeze %dma_wait3A_161 : memref<1x128x128xf32, #tpu.memory_space<vmem>> -> memref<128x128xf32, #tpu.memory_space<vmem>>
    %dma_wait3A_163 = arith.constant 0 : i32
    %dma_wait3A_164 = tpu.memref_slice %arg5[%dma_wait3A_157, %dma_wait3A_163] : memref<8x128xi32, #tpu.memory_space<vmem>> -> memref<1x128xi32, #tpu.memory_space<vmem>>
    %dma_wait3A_165 = tpu.memref_squeeze %dma_wait3A_164 : memref<1x128xi32, #tpu.memory_space<vmem>> -> memref<128xi32, #tpu.memory_space<vmem>>
    %dma_wait3A_166 = arith.constant 0 : i32
    %dma_wait3A_167 = arith.constant 0 : i32
    %dma_wait3A_168 = tpu.memref_slice %arg2[%dma_wait3A_166, %dma_wait3A_167] : memref<10000x128xf32, #tpu.memory_space<hbm>> -> memref<10000x128xf32, #tpu.memory_space<hbm>>
    tpu.wait_indirect_dma semaphore(%arg9 : memref<!tpu.dma_semaphore, #tpu.memory_space<semaphore_mem>>) src(%dma_wait3A_168 : memref<10000x128xf32, #tpu.memory_space<hbm>>) dst(%dma_wait3A_162 : memref<128x128xf32, #tpu.memory_space<vmem>>)
    %add3A_169 = arith.constant 2 : i32
    %add3A_170 = arith.addi %mul3A_2, %add3A_169 : i32
    %mul3A_171 = arith.constant 128 : i32
    %mul3A_172 = arith.muli %add3A_170, %mul3A_171 : i32
    %dma_start3A_173 = arith.constant 2 : i32
    %dma_start3A_174 = arith.constant 0 : i32
    %dma_start3A_175 = arith.constant 0 : i32
    %dma_start3A_176 = tpu.memref_slice %arg6[%dma_start3A_173, %dma_start3A_174, %dma_start3A_175] : memref<4x128x128xf32, #tpu.memory_space<vmem>> -> memref<1x128x128xf32, #tpu.memory_space<vmem>>
    %dma_start3A_177 = tpu.memref_squeeze %dma_start3A_176 : memref<1x128x128xf32, #tpu.memory_space<vmem>> -> memref<128x128xf32, #tpu.memory_space<vmem>>
    %dma_start3A_178 = arith.constant 0 : i32
    %dma_start3A_179 = tpu.memref_slice %arg4[%mul3A_172, %dma_start3A_178] : memref<32768x128xf32, #tpu.memory_space<hbm>> -> memref<128x128xf32, #tpu.memory_space<hbm>>
    %dma_start3A_180 = arith.constant 0 : i32
    %dma_start3A_181 = tpu.memref_slice %arg4[%mul3A_172, %dma_start3A_180] : memref<32768x128xf32, #tpu.memory_space<hbm>> -> memref<128x128xf32, #tpu.memory_space<hbm>>
    %dma_start3A_182 = arith.constant 0 : i32
    %dma_start3A_183 = arith.constant 0 : i32
    %dma_start3A_184 = tpu.memref_slice %arg6[%dma_start3A_173, %dma_start3A_182, %dma_start3A_183] : memref<4x128x128xf32, #tpu.memory_space<vmem>> -> memref<1x128x128xf32, #tpu.memory_space<vmem>>
    %dma_start3A_185 = tpu.memref_squeeze %dma_start3A_184 : memref<1x128x128xf32, #tpu.memory_space<vmem>> -> memref<128x128xf32, #tpu.memory_space<vmem>>
    tpu.enqueue_dma source(%dma_start3A_185 : memref<128x128xf32, #tpu.memory_space<vmem>>) target(%dma_start3A_181 : memref<128x128xf32, #tpu.memory_space<hbm>>) target_semaphore(%arg13 : memref<!tpu.dma_semaphore, #tpu.memory_space<semaphore_mem>>)
    %dma_wait3A_186 = arith.constant 2 : i32
    %dma_wait3A_187 = arith.constant 0 : i32
    %dma_wait3A_188 = arith.constant 0 : i32
    %dma_wait3A_189 = tpu.memref_slice %arg6[%dma_wait3A_186, %dma_wait3A_187, %dma_wait3A_188] : memref<4x128x128xf32, #tpu.memory_space<vmem>> -> memref<1x128x128xf32, #tpu.memory_space<vmem>>
    %dma_wait3A_190 = tpu.memref_squeeze %dma_wait3A_189 : memref<1x128x128xf32, #tpu.memory_space<vmem>> -> memref<128x128xf32, #tpu.memory_space<vmem>>
    %dma_wait3A_191 = arith.constant 0 : i32
    %dma_wait3A_192 = tpu.memref_slice %arg4[%mul3A_172, %dma_wait3A_191] : memref<32768x128xf32, #tpu.memory_space<hbm>> -> memref<128x128xf32, #tpu.memory_space<hbm>>
    %dma_wait3A_193 = arith.constant 0 : i32
    %dma_wait3A_194 = tpu.memref_slice %arg4[%mul3A_172, %dma_wait3A_193] : memref<32768x128xf32, #tpu.memory_space<hbm>> -> memref<128x128xf32, #tpu.memory_space<hbm>>
    %dma_wait3A_195 = arith.constant 0 : i32
    %dma_wait3A_196 = arith.constant 0 : i32
    %dma_wait3A_197 = tpu.memref_slice %arg6[%dma_wait3A_186, %dma_wait3A_195, %dma_wait3A_196] : memref<4x128x128xf32, #tpu.memory_space<vmem>> -> memref<1x128x128xf32, #tpu.memory_space<vmem>>
    %dma_wait3A_198 = tpu.memref_squeeze %dma_wait3A_197 : memref<1x128x128xf32, #tpu.memory_space<vmem>> -> memref<128x128xf32, #tpu.memory_space<vmem>>
    tpu.wait_dma2 semaphore(%arg13 : memref<!tpu.dma_semaphore, #tpu.memory_space<semaphore_mem>>) src(%dma_wait3A_198 : memref<128x128xf32, #tpu.memory_space<vmem>>) dst(%dma_wait3A_194 : memref<128x128xf32, #tpu.memory_space<hbm>>)
    %dma_start3A_199 = arith.constant 6 : i32
    %dma_start3A_200 = arith.constant 2 : i32
    %dma_start3A_201 = arith.constant 0 : i32
    %dma_start3A_202 = arith.constant 0 : i32
    %dma_start3A_203 = tpu.memref_slice %arg6[%dma_start3A_200, %dma_start3A_201, %dma_start3A_202] : memref<4x128x128xf32, #tpu.memory_space<vmem>> -> memref<1x128x128xf32, #tpu.memory_space<vmem>>
    %dma_start3A_204 = tpu.memref_squeeze %dma_start3A_203 : memref<1x128x128xf32, #tpu.memory_space<vmem>> -> memref<128x128xf32, #tpu.memory_space<vmem>>
    %dma_start3A_205 = arith.constant 0 : i32
    %dma_start3A_206 = tpu.memref_slice %arg5[%dma_start3A_199, %dma_start3A_205] : memref<8x128xi32, #tpu.memory_space<vmem>> -> memref<1x128xi32, #tpu.memory_space<vmem>>
    %dma_start3A_207 = tpu.memref_squeeze %dma_start3A_206 : memref<1x128xi32, #tpu.memory_space<vmem>> -> memref<128xi32, #tpu.memory_space<vmem>>
    %dma_start3A_208 = arith.constant 0 : i32
    %dma_start3A_209 = arith.constant 0 : i32
    %dma_start3A_210 = tpu.memref_slice %arg2[%dma_start3A_208, %dma_start3A_209] : memref<10000x128xf32, #tpu.memory_space<hbm>> -> memref<10000x128xf32, #tpu.memory_space<hbm>>
    tpu.enqueue_indirect_dma source(%dma_start3A_210 : memref<10000x128xf32, #tpu.memory_space<hbm>>) target(%dma_start3A_204 : memref<128x128xf32, #tpu.memory_space<vmem>>) offsets(%dma_start3A_207 : memref<128xi32, #tpu.memory_space<vmem>>) semaphore(%arg9 : memref<!tpu.dma_semaphore, #tpu.memory_space<semaphore_mem>>)
    %dma_wait3A_211 = arith.constant 3 : i32
    %dma_wait3A_212 = arith.constant 3 : i32
    %dma_wait3A_213 = arith.constant 0 : i32
    %dma_wait3A_214 = arith.constant 0 : i32
    %dma_wait3A_215 = tpu.memref_slice %arg6[%dma_wait3A_212, %dma_wait3A_213, %dma_wait3A_214] : memref<4x128x128xf32, #tpu.memory_space<vmem>> -> memref<1x128x128xf32, #tpu.memory_space<vmem>>
    %dma_wait3A_216 = tpu.memref_squeeze %dma_wait3A_215 : memref<1x128x128xf32, #tpu.memory_space<vmem>> -> memref<128x128xf32, #tpu.memory_space<vmem>>
    %dma_wait3A_217 = arith.constant 0 : i32
    %dma_wait3A_218 = tpu.memref_slice %arg5[%dma_wait3A_211, %dma_wait3A_217] : memref<8x128xi32, #tpu.memory_space<vmem>> -> memref<1x128xi32, #tpu.memory_space<vmem>>
    %dma_wait3A_219 = tpu.memref_squeeze %dma_wait3A_218 : memref<1x128xi32, #tpu.memory_space<vmem>> -> memref<128xi32, #tpu.memory_space<vmem>>
    %dma_wait3A_220 = arith.constant 0 : i32
    %dma_wait3A_221 = arith.constant 0 : i32
    %dma_wait3A_222 = tpu.memref_slice %arg2[%dma_wait3A_220, %dma_wait3A_221] : memref<10000x128xf32, #tpu.memory_space<hbm>> -> memref<10000x128xf32, #tpu.memory_space<hbm>>
    tpu.wait_indirect_dma semaphore(%arg10 : memref<!tpu.dma_semaphore, #tpu.memory_space<semaphore_mem>>) src(%dma_wait3A_222 : memref<10000x128xf32, #tpu.memory_space<hbm>>) dst(%dma_wait3A_216 : memref<128x128xf32, #tpu.memory_space<vmem>>)
    %add3A_223 = arith.constant 3 : i32
    %add3A_224 = arith.addi %mul3A_2, %add3A_223 : i32
    %mul3A_225 = arith.constant 128 : i32
    %mul3A_226 = arith.muli %add3A_224, %mul3A_225 : i32
    %dma_start3A_227 = arith.constant 3 : i32
    %dma_start3A_228 = arith.constant 0 : i32
    %dma_start3A_229 = arith.constant 0 : i32
    %dma_start3A_230 = tpu.memref_slice %arg6[%dma_start3A_227, %dma_start3A_228, %dma_start3A_229] : memref<4x128x128xf32, #tpu.memory_space<vmem>> -> memref<1x128x128xf32, #tpu.memory_space<vmem>>
    %dma_start3A_231 = tpu.memref_squeeze %dma_start3A_230 : memref<1x128x128xf32, #tpu.memory_space<vmem>> -> memref<128x128xf32, #tpu.memory_space<vmem>>
    %dma_start3A_232 = arith.constant 0 : i32
    %dma_start3A_233 = tpu.memref_slice %arg4[%mul3A_226, %dma_start3A_232] : memref<32768x128xf32, #tpu.memory_space<hbm>> -> memref<128x128xf32, #tpu.memory_space<hbm>>
    %dma_start3A_234 = arith.constant 0 : i32
    %dma_start3A_235 = tpu.memref_slice %arg4[%mul3A_226, %dma_start3A_234] : memref<32768x128xf32, #tpu.memory_space<hbm>> -> memref<128x128xf32, #tpu.memory_space<hbm>>
    %dma_start3A_236 = arith.constant 0 : i32
    %dma_start3A_237 = arith.constant 0 : i32
    %dma_start3A_238 = tpu.memref_slice %arg6[%dma_start3A_227, %dma_start3A_236, %dma_start3A_237] : memref<4x128x128xf32, #tpu.memory_space<vmem>> -> memref<1x128x128xf32, #tpu.memory_space<vmem>>
    %dma_start3A_239 = tpu.memref_squeeze %dma_start3A_238 : memref<1x128x128xf32, #tpu.memory_space<vmem>> -> memref<128x128xf32, #tpu.memory_space<vmem>>
    tpu.enqueue_dma source(%dma_start3A_239 : memref<128x128xf32, #tpu.memory_space<vmem>>) target(%dma_start3A_235 : memref<128x128xf32, #tpu.memory_space<hbm>>) target_semaphore(%arg14 : memref<!tpu.dma_semaphore, #tpu.memory_space<semaphore_mem>>)
    %dma_wait3A_240 = arith.constant 3 : i32
    %dma_wait3A_241 = arith.constant 0 : i32
    %dma_wait3A_242 = arith.constant 0 : i32
    %dma_wait3A_243 = tpu.memref_slice %arg6[%dma_wait3A_240, %dma_wait3A_241, %dma_wait3A_242] : memref<4x128x128xf32, #tpu.memory_space<vmem>> -> memref<1x128x128xf32, #tpu.memory_space<vmem>>
    %dma_wait3A_244 = tpu.memref_squeeze %dma_wait3A_243 : memref<1x128x128xf32, #tpu.memory_space<vmem>> -> memref<128x128xf32, #tpu.memory_space<vmem>>
    %dma_wait3A_245 = arith.constant 0 : i32
    %dma_wait3A_246 = tpu.memref_slice %arg4[%mul3A_226, %dma_wait3A_245] : memref<32768x128xf32, #tpu.memory_space<hbm>> -> memref<128x128xf32, #tpu.memory_space<hbm>>
    %dma_wait3A_247 = arith.constant 0 : i32
    %dma_wait3A_248 = tpu.memref_slice %arg4[%mul3A_226, %dma_wait3A_247] : memref<32768x128xf32, #tpu.memory_space<hbm>> -> memref<128x128xf32, #tpu.memory_space<hbm>>
    %dma_wait3A_249 = arith.constant 0 : i32
    %dma_wait3A_250 = arith.constant 0 : i32
    %dma_wait3A_251 = tpu.memref_slice %arg6[%dma_wait3A_240, %dma_wait3A_249, %dma_wait3A_250] : memref<4x128x128xf32, #tpu.memory_space<vmem>> -> memref<1x128x128xf32, #tpu.memory_space<vmem>>
    %dma_wait3A_252 = tpu.memref_squeeze %dma_wait3A_251 : memref<1x128x128xf32, #tpu.memory_space<vmem>> -> memref<128x128xf32, #tpu.memory_space<vmem>>
    tpu.wait_dma2 semaphore(%arg14 : memref<!tpu.dma_semaphore, #tpu.memory_space<semaphore_mem>>) src(%dma_wait3A_252 : memref<128x128xf32, #tpu.memory_space<vmem>>) dst(%dma_wait3A_248 : memref<128x128xf32, #tpu.memory_space<hbm>>)
    %dma_start3A_253 = arith.constant 7 : i32
    %dma_start3A_254 = arith.constant 3 : i32
    %dma_start3A_255 = arith.constant 0 : i32
    %dma_start3A_256 = arith.constant 0 : i32
    %dma_start3A_257 = tpu.memref_slice %arg6[%dma_start3A_254, %dma_start3A_255, %dma_start3A_256] : memref<4x128x128xf32, #tpu.memory_space<vmem>> -> memref<1x128x128xf32, #tpu.memory_space<vmem>>
    %dma_start3A_258 = tpu.memref_squeeze %dma_start3A_257 : memref<1x128x128xf32, #tpu.memory_space<vmem>> -> memref<128x128xf32, #tpu.memory_space<vmem>>
    %dma_start3A_259 = arith.constant 0 : i32
    %dma_start3A_260 = tpu.memref_slice %arg5[%dma_start3A_253, %dma_start3A_259] : memref<8x128xi32, #tpu.memory_space<vmem>> -> memref<1x128xi32, #tpu.memory_space<vmem>>
    %dma_start3A_261 = tpu.memref_squeeze %dma_start3A_260 : memref<1x128xi32, #tpu.memory_space<vmem>> -> memref<128xi32, #tpu.memory_space<vmem>>
    %dma_start3A_262 = arith.constant 0 : i32
    %dma_start3A_263 = arith.constant 0 : i32
    %dma_start3A_264 = tpu.memref_slice %arg2[%dma_start3A_262, %dma_start3A_263] : memref<10000x128xf32, #tpu.memory_space<hbm>> -> memref<10000x128xf32, #tpu.memory_space<hbm>>
    tpu.enqueue_indirect_dma source(%dma_start3A_264 : memref<10000x128xf32, #tpu.memory_space<hbm>>) target(%dma_start3A_258 : memref<128x128xf32, #tpu.memory_space<vmem>>) offsets(%dma_start3A_261 : memref<128xi32, #tpu.memory_space<vmem>>) semaphore(%arg10 : memref<!tpu.dma_semaphore, #tpu.memory_space<semaphore_mem>>)
    %dma_wait3A_265 = arith.constant 4 : i32
    %dma_wait3A_266 = arith.constant 0 : i32
    %dma_wait3A_267 = arith.constant 0 : i32
    %dma_wait3A_268 = arith.constant 0 : i32
    %dma_wait3A_269 = tpu.memref_slice %arg6[%dma_wait3A_266, %dma_wait3A_267, %dma_wait3A_268] : memref<4x128x128xf32, #tpu.memory_space<vmem>> -> memref<1x128x128xf32, #tpu.memory_space<vmem>>
    %dma_wait3A_270 = tpu.memref_squeeze %dma_wait3A_269 : memref<1x128x128xf32, #tpu.memory_space<vmem>> -> memref<128x128xf32, #tpu.memory_space<vmem>>
    %dma_wait3A_271 = arith.constant 0 : i32
    %dma_wait3A_272 = tpu.memref_slice %arg5[%dma_wait3A_265, %dma_wait3A_271] : memref<8x128xi32, #tpu.memory_space<vmem>> -> memref<1x128xi32, #tpu.memory_space<vmem>>
    %dma_wait3A_273 = tpu.memref_squeeze %dma_wait3A_272 : memref<1x128xi32, #tpu.memory_space<vmem>> -> memref<128xi32, #tpu.memory_space<vmem>>
    %dma_wait3A_274 = arith.constant 0 : i32
    %dma_wait3A_275 = arith.constant 0 : i32
    %dma_wait3A_276 = tpu.memref_slice %arg2[%dma_wait3A_274, %dma_wait3A_275] : memref<10000x128xf32, #tpu.memory_space<hbm>> -> memref<10000x128xf32, #tpu.memory_space<hbm>>
    tpu.wait_indirect_dma semaphore(%arg7 : memref<!tpu.dma_semaphore, #tpu.memory_space<semaphore_mem>>) src(%dma_wait3A_276 : memref<10000x128xf32, #tpu.memory_space<hbm>>) dst(%dma_wait3A_270 : memref<128x128xf32, #tpu.memory_space<vmem>>)
    %add3A_277 = arith.constant 4 : i32
    %add3A_278 = arith.addi %mul3A_2, %add3A_277 : i32
    %mul3A_279 = arith.constant 128 : i32
    %mul3A_280 = arith.muli %add3A_278, %mul3A_279 : i32
    %dma_start3A_281 = arith.constant 0 : i32
    %dma_start3A_282 = arith.constant 0 : i32
    %dma_start3A_283 = arith.constant 0 : i32
    %dma_start3A_284 = tpu.memref_slice %arg6[%dma_start3A_281, %dma_start3A_282, %dma_start3A_283] : memref<4x128x128xf32, #tpu.memory_space<vmem>> -> memref<1x128x128xf32, #tpu.memory_space<vmem>>
    %dma_start3A_285 = tpu.memref_squeeze %dma_start3A_284 : memref<1x128x128xf32, #tpu.memory_space<vmem>> -> memref<128x128xf32, #tpu.memory_space<vmem>>
    %dma_start3A_286 = arith.constant 0 : i32
    %dma_start3A_287 = tpu.memref_slice %arg4[%mul3A_280, %dma_start3A_286] : memref<32768x128xf32, #tpu.memory_space<hbm>> -> memref<128x128xf32, #tpu.memory_space<hbm>>
    %dma_start3A_288 = arith.constant 0 : i32
    %dma_start3A_289 = tpu.memref_slice %arg4[%mul3A_280, %dma_start3A_288] : memref<32768x128xf32, #tpu.memory_space<hbm>> -> memref<128x128xf32, #tpu.memory_space<hbm>>
    %dma_start3A_290 = arith.constant 0 : i32
    %dma_start3A_291 = arith.constant 0 : i32
    %dma_start3A_292 = tpu.memref_slice %arg6[%dma_start3A_281, %dma_start3A_290, %dma_start3A_291] : memref<4x128x128xf32, #tpu.memory_space<vmem>> -> memref<1x128x128xf32, #tpu.memory_space<vmem>>
    %dma_start3A_293 = tpu.memref_squeeze %dma_start3A_292 : memref<1x128x128xf32, #tpu.memory_space<vmem>> -> memref<128x128xf32, #tpu.memory_space<vmem>>
    tpu.enqueue_dma source(%dma_start3A_293 : memref<128x128xf32, #tpu.memory_space<vmem>>) target(%dma_start3A_289 : memref<128x128xf32, #tpu.memory_space<hbm>>) target_semaphore(%arg11 : memref<!tpu.dma_semaphore, #tpu.memory_space<semaphore_mem>>)
    %dma_wait3A_294 = arith.constant 5 : i32
    %dma_wait3A_295 = arith.constant 1 : i32
    %dma_wait3A_296 = arith.constant 0 : i32
    %dma_wait3A_297 = arith.constant 0 : i32
    %dma_wait3A_298 = tpu.memref_slice %arg6[%dma_wait3A_295, %dma_wait3A_296, %dma_wait3A_297] : memref<4x128x128xf32, #tpu.memory_space<vmem>> -> memref<1x128x128xf32, #tpu.memory_space<vmem>>
    %dma_wait3A_299 = tpu.memref_squeeze %dma_wait3A_298 : memref<1x128x128xf32, #tpu.memory_space<vmem>> -> memref<128x128xf32, #tpu.memory_space<vmem>>
    %dma_wait3A_300 = arith.constant 0 : i32
    %dma_wait3A_301 = tpu.memref_slice %arg5[%dma_wait3A_294, %dma_wait3A_300] : memref<8x128xi32, #tpu.memory_space<vmem>> -> memref<1x128xi32, #tpu.memory_space<vmem>>
    %dma_wait3A_302 = tpu.memref_squeeze %dma_wait3A_301 : memref<1x128xi32, #tpu.memory_space<vmem>> -> memref<128xi32, #tpu.memory_space<vmem>>
    %dma_wait3A_303 = arith.constant 0 : i32
    %dma_wait3A_304 = arith.constant 0 : i32
    %dma_wait3A_305 = tpu.memref_slice %arg2[%dma_wait3A_303, %dma_wait3A_304] : memref<10000x128xf32, #tpu.memory_space<hbm>> -> memref<10000x128xf32, #tpu.memory_space<hbm>>
    tpu.wait_indirect_dma semaphore(%arg8 : memref<!tpu.dma_semaphore, #tpu.memory_space<semaphore_mem>>) src(%dma_wait3A_305 : memref<10000x128xf32, #tpu.memory_space<hbm>>) dst(%dma_wait3A_299 : memref<128x128xf32, #tpu.memory_space<vmem>>)
    %add3A_306 = arith.constant 5 : i32
    %add3A_307 = arith.addi %mul3A_2, %add3A_306 : i32
    %mul3A_308 = arith.constant 128 : i32
    %mul3A_309 = arith.muli %add3A_307, %mul3A_308 : i32
    %dma_start3A_310 = arith.constant 1 : i32
    %dma_start3A_311 = arith.constant 0 : i32
    %dma_start3A_312 = arith.constant 0 : i32
    %dma_start3A_313 = tpu.memref_slice %arg6[%dma_start3A_310, %dma_start3A_311, %dma_start3A_312] : memref<4x128x128xf32, #tpu.memory_space<vmem>> -> memref<1x128x128xf32, #tpu.memory_space<vmem>>
    %dma_start3A_314 = tpu.memref_squeeze %dma_start3A_313 : memref<1x128x128xf32, #tpu.memory_space<vmem>> -> memref<128x128xf32, #tpu.memory_space<vmem>>
    %dma_start3A_315 = arith.constant 0 : i32
    %dma_start3A_316 = tpu.memref_slice %arg4[%mul3A_309, %dma_start3A_315] : memref<32768x128xf32, #tpu.memory_space<hbm>> -> memref<128x128xf32, #tpu.memory_space<hbm>>
    %dma_start3A_317 = arith.constant 0 : i32
    %dma_start3A_318 = tpu.memref_slice %arg4[%mul3A_309, %dma_start3A_317] : memref<32768x128xf32, #tpu.memory_space<hbm>> -> memref<128x128xf32, #tpu.memory_space<hbm>>
    %dma_start3A_319 = arith.constant 0 : i32
    %dma_start3A_320 = arith.constant 0 : i32
    %dma_start3A_321 = tpu.memref_slice %arg6[%dma_start3A_310, %dma_start3A_319, %dma_start3A_320] : memref<4x128x128xf32, #tpu.memory_space<vmem>> -> memref<1x128x128xf32, #tpu.memory_space<vmem>>
    %dma_start3A_322 = tpu.memref_squeeze %dma_start3A_321 : memref<1x128x128xf32, #tpu.memory_space<vmem>> -> memref<128x128xf32, #tpu.memory_space<vmem>>
    tpu.enqueue_dma source(%dma_start3A_322 : memref<128x128xf32, #tpu.memory_space<vmem>>) target(%dma_start3A_318 : memref<128x128xf32, #tpu.memory_space<hbm>>) target_semaphore(%arg12 : memref<!tpu.dma_semaphore, #tpu.memory_space<semaphore_mem>>)
    %dma_wait3A_323 = arith.constant 6 : i32
    %dma_wait3A_324 = arith.constant 2 : i32
    %dma_wait3A_325 = arith.constant 0 : i32
    %dma_wait3A_326 = arith.constant 0 : i32
    %dma_wait3A_327 = tpu.memref_slice %arg6[%dma_wait3A_324, %dma_wait3A_325, %dma_wait3A_326] : memref<4x128x128xf32, #tpu.memory_space<vmem>> -> memref<1x128x128xf32, #tpu.memory_space<vmem>>
    %dma_wait3A_328 = tpu.memref_squeeze %dma_wait3A_327 : memref<1x128x128xf32, #tpu.memory_space<vmem>> -> memref<128x128xf32, #tpu.memory_space<vmem>>
    %dma_wait3A_329 = arith.constant 0 : i32
    %dma_wait3A_330 = tpu.memref_slice %arg5[%dma_wait3A_323, %dma_wait3A_329] : memref<8x128xi32, #tpu.memory_space<vmem>> -> memref<1x128xi32, #tpu.memory_space<vmem>>
    %dma_wait3A_331 = tpu.memref_squeeze %dma_wait3A_330 : memref<1x128xi32, #tpu.memory_space<vmem>> -> memref<128xi32, #tpu.memory_space<vmem>>
    %dma_wait3A_332 = arith.constant 0 : i32
    %dma_wait3A_333 = arith.constant 0 : i32
    %dma_wait3A_334 = tpu.memref_slice %arg2[%dma_wait3A_332, %dma_wait3A_333] : memref<10000x128xf32, #tpu.memory_space<hbm>> -> memref<10000x128xf32, #tpu.memory_space<hbm>>
    tpu.wait_indirect_dma semaphore(%arg9 : memref<!tpu.dma_semaphore, #tpu.memory_space<semaphore_mem>>) src(%dma_wait3A_334 : memref<10000x128xf32, #tpu.memory_space<hbm>>) dst(%dma_wait3A_328 : memref<128x128xf32, #tpu.memory_space<vmem>>)
    %add3A_335 = arith.constant 6 : i32
    %add3A_336 = arith.addi %mul3A_2, %add3A_335 : i32
    %mul3A_337 = arith.constant 128 : i32
    %mul3A_338 = arith.muli %add3A_336, %mul3A_337 : i32
    %dma_start3A_339 = arith.constant 2 : i32
    %dma_start3A_340 = arith.constant 0 : i32
    %dma_start3A_341 = arith.constant 0 : i32
    %dma_start3A_342 = tpu.memref_slice %arg6[%dma_start3A_339, %dma_start3A_340, %dma_start3A_341] : memref<4x128x128xf32, #tpu.memory_space<vmem>> -> memref<1x128x128xf32, #tpu.memory_space<vmem>>
    %dma_start3A_343 = tpu.memref_squeeze %dma_start3A_342 : memref<1x128x128xf32, #tpu.memory_space<vmem>> -> memref<128x128xf32, #tpu.memory_space<vmem>>
    %dma_start3A_344 = arith.constant 0 : i32
    %dma_start3A_345 = tpu.memref_slice %arg4[%mul3A_338, %dma_start3A_344] : memref<32768x128xf32, #tpu.memory_space<hbm>> -> memref<128x128xf32, #tpu.memory_space<hbm>>
    %dma_start3A_346 = arith.constant 0 : i32
    %dma_start3A_347 = tpu.memref_slice %arg4[%mul3A_338, %dma_start3A_346] : memref<32768x128xf32, #tpu.memory_space<hbm>> -> memref<128x128xf32, #tpu.memory_space<hbm>>
    %dma_start3A_348 = arith.constant 0 : i32
    %dma_start3A_349 = arith.constant 0 : i32
    %dma_start3A_350 = tpu.memref_slice %arg6[%dma_start3A_339, %dma_start3A_348, %dma_start3A_349] : memref<4x128x128xf32, #tpu.memory_space<vmem>> -> memref<1x128x128xf32, #tpu.memory_space<vmem>>
    %dma_start3A_351 = tpu.memref_squeeze %dma_start3A_350 : memref<1x128x128xf32, #tpu.memory_space<vmem>> -> memref<128x128xf32, #tpu.memory_space<vmem>>
    tpu.enqueue_dma source(%dma_start3A_351 : memref<128x128xf32, #tpu.memory_space<vmem>>) target(%dma_start3A_347 : memref<128x128xf32, #tpu.memory_space<hbm>>) target_semaphore(%arg13 : memref<!tpu.dma_semaphore, #tpu.memory_space<semaphore_mem>>)
    %dma_wait3A_352 = arith.constant 7 : i32
    %dma_wait3A_353 = arith.constant 3 : i32
    %dma_wait3A_354 = arith.constant 0 : i32
    %dma_wait3A_355 = arith.constant 0 : i32
    %dma_wait3A_356 = tpu.memref_slice %arg6[%dma_wait3A_353, %dma_wait3A_354, %dma_wait3A_355] : memref<4x128x128xf32, #tpu.memory_space<vmem>> -> memref<1x128x128xf32, #tpu.memory_space<vmem>>
    %dma_wait3A_357 = tpu.memref_squeeze %dma_wait3A_356 : memref<1x128x128xf32, #tpu.memory_space<vmem>> -> memref<128x128xf32, #tpu.memory_space<vmem>>
    %dma_wait3A_358 = arith.constant 0 : i32
    %dma_wait3A_359 = tpu.memref_slice %arg5[%dma_wait3A_352, %dma_wait3A_358] : memref<8x128xi32, #tpu.memory_space<vmem>> -> memref<1x128xi32, #tpu.memory_space<vmem>>
    %dma_wait3A_360 = tpu.memref_squeeze %dma_wait3A_359 : memref<1x128xi32, #tpu.memory_space<vmem>> -> memref<128xi32, #tpu.memory_space<vmem>>
    %dma_wait3A_361 = arith.constant 0 : i32
    %dma_wait3A_362 = arith.constant 0 : i32
    %dma_wait3A_363 = tpu.memref_slice %arg2[%dma_wait3A_361, %dma_wait3A_362] : memref<10000x128xf32, #tpu.memory_space<hbm>> -> memref<10000x128xf32, #tpu.memory_space<hbm>>
    tpu.wait_indirect_dma semaphore(%arg10 : memref<!tpu.dma_semaphore, #tpu.memory_space<semaphore_mem>>) src(%dma_wait3A_363 : memref<10000x128xf32, #tpu.memory_space<hbm>>) dst(%dma_wait3A_357 : memref<128x128xf32, #tpu.memory_space<vmem>>)
    %add3A_364 = arith.constant 7 : i32
    %add3A_365 = arith.addi %mul3A_2, %add3A_364 : i32
    %mul3A_366 = arith.constant 128 : i32
    %mul3A_367 = arith.muli %add3A_365, %mul3A_366 : i32
    %dma_start3A_368 = arith.constant 3 : i32
    %dma_start3A_369 = arith.constant 0 : i32
    %dma_start3A_370 = arith.constant 0 : i32
    %dma_start3A_371 = tpu.memref_slice %arg6[%dma_start3A_368, %dma_start3A_369, %dma_start3A_370] : memref<4x128x128xf32, #tpu.memory_space<vmem>> -> memref<1x128x128xf32, #tpu.memory_space<vmem>>
    %dma_start3A_372 = tpu.memref_squeeze %dma_start3A_371 : memref<1x128x128xf32, #tpu.memory_space<vmem>> -> memref<128x128xf32, #tpu.memory_space<vmem>>
    %dma_start3A_373 = arith.constant 0 : i32
    %dma_start3A_374 = tpu.memref_slice %arg4[%mul3A_367, %dma_start3A_373] : memref<32768x128xf32, #tpu.memory_space<hbm>> -> memref<128x128xf32, #tpu.memory_space<hbm>>
    %dma_start3A_375 = arith.constant 0 : i32
    %dma_start3A_376 = tpu.memref_slice %arg4[%mul3A_367, %dma_start3A_375] : memref<32768x128xf32, #tpu.memory_space<hbm>> -> memref<128x128xf32, #tpu.memory_space<hbm>>
    %dma_start3A_377 = arith.constant 0 : i32
    %dma_start3A_378 = arith.constant 0 : i32
    %dma_start3A_379 = tpu.memref_slice %arg6[%dma_start3A_368, %dma_start3A_377, %dma_start3A_378] : memref<4x128x128xf32, #tpu.memory_space<vmem>> -> memref<1x128x128xf32, #tpu.memory_space<vmem>>
    %dma_start3A_380 = tpu.memref_squeeze %dma_start3A_379 : memref<1x128x128xf32, #tpu.memory_space<vmem>> -> memref<128x128xf32, #tpu.memory_space<vmem>>
    tpu.enqueue_dma source(%dma_start3A_380 : memref<128x128xf32, #tpu.memory_space<vmem>>) target(%dma_start3A_376 : memref<128x128xf32, #tpu.memory_space<hbm>>) target_semaphore(%arg14 : memref<!tpu.dma_semaphore, #tpu.memory_space<semaphore_mem>>)
    %dma_wait3A_381 = arith.constant 0 : i32
    %dma_wait3A_382 = arith.constant 0 : i32
    %dma_wait3A_383 = arith.constant 0 : i32
    %dma_wait3A_384 = tpu.memref_slice %arg6[%dma_wait3A_381, %dma_wait3A_382, %dma_wait3A_383] : memref<4x128x128xf32, #tpu.memory_space<vmem>> -> memref<1x128x128xf32, #tpu.memory_space<vmem>>
    %dma_wait3A_385 = tpu.memref_squeeze %dma_wait3A_384 : memref<1x128x128xf32, #tpu.memory_space<vmem>> -> memref<128x128xf32, #tpu.memory_space<vmem>>
    %dma_wait3A_386 = arith.constant 0 : i32
    %dma_wait3A_387 = tpu.memref_slice %arg4[%mul3A_280, %dma_wait3A_386] : memref<32768x128xf32, #tpu.memory_space<hbm>> -> memref<128x128xf32, #tpu.memory_space<hbm>>
    %dma_wait3A_388 = arith.constant 0 : i32
    %dma_wait3A_389 = tpu.memref_slice %arg4[%mul3A_280, %dma_wait3A_388] : memref<32768x128xf32, #tpu.memory_space<hbm>> -> memref<128x128xf32, #tpu.memory_space<hbm>>
    %dma_wait3A_390 = arith.constant 0 : i32
    %dma_wait3A_391 = arith.constant 0 : i32
    %dma_wait3A_392 = tpu.memref_slice %arg6[%dma_wait3A_381, %dma_wait3A_390, %dma_wait3A_391] : memref<4x128x128xf32, #tpu.memory_space<vmem>> -> memref<1x128x128xf32, #tpu.memory_space<vmem>>
    %dma_wait3A_393 = tpu.memref_squeeze %dma_wait3A_392 : memref<1x128x128xf32, #tpu.memory_space<vmem>> -> memref<128x128xf32, #tpu.memory_space<vmem>>
    tpu.wait_dma2 semaphore(%arg11 : memref<!tpu.dma_semaphore, #tpu.memory_space<semaphore_mem>>) src(%dma_wait3A_393 : memref<128x128xf32, #tpu.memory_space<vmem>>) dst(%dma_wait3A_389 : memref<128x128xf32, #tpu.memory_space<hbm>>)
    %dma_wait3A_394 = arith.constant 1 : i32
    %dma_wait3A_395 = arith.constant 0 : i32
    %dma_wait3A_396 = arith.constant 0 : i32
    %dma_wait3A_397 = tpu.memref_slice %arg6[%dma_wait3A_394, %dma_wait3A_395, %dma_wait3A_396] : memref<4x128x128xf32, #tpu.memory_space<vmem>> -> memref<1x128x128xf32, #tpu.memory_space<vmem>>
    %dma_wait3A_398 = tpu.memref_squeeze %dma_wait3A_397 : memref<1x128x128xf32, #tpu.memory_space<vmem>> -> memref<128x128xf32, #tpu.memory_space<vmem>>
    %dma_wait3A_399 = arith.constant 0 : i32
    %dma_wait3A_400 = tpu.memref_slice %arg4[%mul3A_309, %dma_wait3A_399] : memref<32768x128xf32, #tpu.memory_space<hbm>> -> memref<128x128xf32, #tpu.memory_space<hbm>>
    %dma_wait3A_401 = arith.constant 0 : i32
    %dma_wait3A_402 = tpu.memref_slice %arg4[%mul3A_309, %dma_wait3A_401] : memref<32768x128xf32, #tpu.memory_space<hbm>> -> memref<128x128xf32, #tpu.memory_space<hbm>>
    %dma_wait3A_403 = arith.constant 0 : i32
    %dma_wait3A_404 = arith.constant 0 : i32
    %dma_wait3A_405 = tpu.memref_slice %arg6[%dma_wait3A_394, %dma_wait3A_403, %dma_wait3A_404] : memref<4x128x128xf32, #tpu.memory_space<vmem>> -> memref<1x128x128xf32, #tpu.memory_space<vmem>>
    %dma_wait3A_406 = tpu.memref_squeeze %dma_wait3A_405 : memref<1x128x128xf32, #tpu.memory_space<vmem>> -> memref<128x128xf32, #tpu.memory_space<vmem>>
    tpu.wait_dma2 semaphore(%arg12 : memref<!tpu.dma_semaphore, #tpu.memory_space<semaphore_mem>>) src(%dma_wait3A_406 : memref<128x128xf32, #tpu.memory_space<vmem>>) dst(%dma_wait3A_402 : memref<128x128xf32, #tpu.memory_space<hbm>>)
    %dma_wait3A_407 = arith.constant 2 : i32
    %dma_wait3A_408 = arith.constant 0 : i32
    %dma_wait3A_409 = arith.constant 0 : i32
    %dma_wait3A_410 = tpu.memref_slice %arg6[%dma_wait3A_407, %dma_wait3A_408, %dma_wait3A_409] : memref<4x128x128xf32, #tpu.memory_space<vmem>> -> memref<1x128x128xf32, #tpu.memory_space<vmem>>
    %dma_wait3A_411 = tpu.memref_squeeze %dma_wait3A_410 : memref<1x128x128xf32, #tpu.memory_space<vmem>> -> memref<128x128xf32, #tpu.memory_space<vmem>>
    %dma_wait3A_412 = arith.constant 0 : i32
    %dma_wait3A_413 = tpu.memref_slice %arg4[%mul3A_338, %dma_wait3A_412] : memref<32768x128xf32, #tpu.memory_space<hbm>> -> memref<128x128xf32, #tpu.memory_space<hbm>>
    %dma_wait3A_414 = arith.constant 0 : i32
    %dma_wait3A_415 = tpu.memref_slice %arg4[%mul3A_338, %dma_wait3A_414] : memref<32768x128xf32, #tpu.memory_space<hbm>> -> memref<128x128xf32, #tpu.memory_space<hbm>>
    %dma_wait3A_416 = arith.constant 0 : i32
    %dma_wait3A_417 = arith.constant 0 : i32
    %dma_wait3A_418 = tpu.memref_slice %arg6[%dma_wait3A_407, %dma_wait3A_416, %dma_wait3A_417] : memref<4x128x128xf32, #tpu.memory_space<vmem>> -> memref<1x128x128xf32, #tpu.memory_space<vmem>>
    %dma_wait3A_419 = tpu.memref_squeeze %dma_wait3A_418 : memref<1x128x128xf32, #tpu.memory_space<vmem>> -> memref<128x128xf32, #tpu.memory_space<vmem>>
    tpu.wait_dma2 semaphore(%arg13 : memref<!tpu.dma_semaphore, #tpu.memory_space<semaphore_mem>>) src(%dma_wait3A_419 : memref<128x128xf32, #tpu.memory_space<vmem>>) dst(%dma_wait3A_415 : memref<128x128xf32, #tpu.memory_space<hbm>>)
    %dma_wait3A_420 = arith.constant 3 : i32
    %dma_wait3A_421 = arith.constant 0 : i32
    %dma_wait3A_422 = arith.constant 0 : i32
    %dma_wait3A_423 = tpu.memref_slice %arg6[%dma_wait3A_420, %dma_wait3A_421, %dma_wait3A_422] : memref<4x128x128xf32, #tpu.memory_space<vmem>> -> memref<1x128x128xf32, #tpu.memory_space<vmem>>
    %dma_wait3A_424 = tpu.memref_squeeze %dma_wait3A_423 : memref<1x128x128xf32, #tpu.memory_space<vmem>> -> memref<128x128xf32, #tpu.memory_space<vmem>>
    %dma_wait3A_425 = arith.constant 0 : i32
    %dma_wait3A_426 = tpu.memref_slice %arg4[%mul3A_367, %dma_wait3A_425] : memref<32768x128xf32, #tpu.memory_space<hbm>> -> memref<128x128xf32, #tpu.memory_space<hbm>>
    %dma_wait3A_427 = arith.constant 0 : i32
    %dma_wait3A_428 = tpu.memref_slice %arg4[%mul3A_367, %dma_wait3A_427] : memref<32768x128xf32, #tpu.memory_space<hbm>> -> memref<128x128xf32, #tpu.memory_space<hbm>>
    %dma_wait3A_429 = arith.constant 0 : i32
    %dma_wait3A_430 = arith.constant 0 : i32
    %dma_wait3A_431 = tpu.memref_slice %arg6[%dma_wait3A_420, %dma_wait3A_429, %dma_wait3A_430] : memref<4x128x128xf32, #tpu.memory_space<vmem>> -> memref<1x128x128xf32, #tpu.memory_space<vmem>>
    %dma_wait3A_432 = tpu.memref_squeeze %dma_wait3A_431 : memref<1x128x128xf32, #tpu.memory_space<vmem>> -> memref<128x128xf32, #tpu.memory_space<vmem>>
    tpu.wait_dma2 semaphore(%arg14 : memref<!tpu.dma_semaphore, #tpu.memory_space<semaphore_mem>>) src(%dma_wait3A_432 : memref<128x128xf32, #tpu.memory_space<vmem>>) dst(%dma_wait3A_428 : memref<128x128xf32, #tpu.memory_space<hbm>>)
    return
  }
}

module attributes {stable_mosaic.version = 14 : i64} {
  func.func @_layer1_body(%arg0: i32, %arg1: memref<400x10000xf32, #tpu.memory_space<vmem>>, %arg2: memref<10000x128xf32, #tpu.memory_space<vmem>>, %arg3: memref<2x128x128xbf16, #tpu.memory_space<vmem>>, %arg4: memref<400x128xf8E4M3FN, #tpu.memory_space<vmem>>, %arg5: memref<400x10000xf8E4M3FN, #tpu.memory_space<vmem>>, %arg6: memref<10000x128xbf16, #tpu.memory_space<vmem>>) attributes {dimension_semantics = [#tpu.dimension_semantics<arbitrary>], iteration_bounds = array<i64: 25>, scalar_prefetch = 0 : i64, scratch_operands = 1 : i64, tpu.core_type = #tpu.core_type<tc>, window_params = [{transform_indices = @transform_0, window_bounds = array<i64: 400, 10000>}, {pipeline_mode = #tpu.pipeline_mode<synchronous>, transform_indices = @transform_1, window_bounds = array<i64: 10000, 128>}, {pipeline_mode = #tpu.pipeline_mode<synchronous>, transform_indices = @transform_2, window_bounds = array<i64: 2, 128, 128>}, {transform_indices = @transform_3, window_bounds = array<i64: 400, 128>}, {transform_indices = @transform_4, window_bounds = array<i64: 400, 10000>}]} {
    %eq3A = arith.constant 0 : i32
    %eq3A_0 = arith.cmpi eq, %arg0, %eq3A : i32
    %convert_element_type3A = arith.extui %eq3A_0 : i1 to i32
    %cond3A = arith.constant 0 : i32
    %cond3A_1 = arith.cmpi ne, %convert_element_type3A, %cond3A : i32
    scf.if %cond3A_1 {
      %get3A_26 = arith.constant 0 : index
      %get3A_27 = arith.constant 0 : index
      %get3A_28 = vector.load %arg2[%get3A_26, %get3A_27] : memref<10000x128xf32, #tpu.memory_space<vmem>>, vector<10000x128xf32>
      %convert_element_type3A_29 = arith.truncf %get3A_28 : vector<10000x128xf32> to vector<10000x128xbf16>
      %get3A_30 = arith.constant 0 : index
      %get3A_31 = arith.constant 0 : index
      %get3A_32 = arith.constant 0 : index
      %get3A_33 = vector.load %arg3[%get3A_30, %get3A_31, %get3A_32] : memref<2x128x128xbf16, #tpu.memory_space<vmem>>, vector<1x128x128xbf16>
      %get3A_34 = vector.shape_cast %get3A_33 : vector<1x128x128xbf16> to vector<128x128xbf16>
      %dot_general3A_35 = arith.constant dense<0.000000e+00> : vector<10000x128xf32>
      %dot_general3A_36 = tpu.matmul %convert_element_type3A_29, %get3A_34, %dot_general3A_35 {dimension_numbers = #tpu.dot_dimension_numbers<[1], [0], [0], [1], [0, 0, 1, 1], [], []>, transpose_lhs_hint = false} : vector<10000x128xbf16>, vector<128x128xbf16>, vector<10000x128xf32> -> vector<10000x128xf32>
      %convert_element_type3A_37 = arith.truncf %dot_general3A_36 : vector<10000x128xf32> to vector<10000x128xbf16>
      %swap3A_38 = arith.constant 0 : index
      %swap3A_39 = arith.constant 0 : index
      %swap3A_40 = vector.load %arg6[%swap3A_38, %swap3A_39] : memref<10000x128xbf16, #tpu.memory_space<vmem>>, vector<10000x128xbf16>
      tpu.vector_store %arg6[%swap3A_38, %swap3A_39], %convert_element_type3A_37 {strides = array<i32>} : memref<10000x128xbf16, #tpu.memory_space<vmem>>, vector<10000x128xbf16>,
    } else {
    }
    %get3A = arith.constant 0 : index
    %get3A_2 = arith.constant 0 : index
    %get3A_3 = vector.load %arg1[%get3A, %get3A_2] : memref<400x10000xf32, #tpu.memory_space<vmem>>, vector<400x10000xf32>
    %convert_element_type3A_4 = arith.truncf %get3A_3 : vector<400x10000xf32> to vector<400x10000xbf16>
    %get3A_5 = arith.constant 0 : index
    %get3A_6 = arith.constant 0 : index
    %get3A_7 = vector.load %arg6[%get3A_5, %get3A_6] : memref<10000x128xbf16, #tpu.memory_space<vmem>>, vector<10000x128xbf16>
    %dot_general3A = arith.constant dense<0.000000e+00> : vector<400x128xf32>
    %dot_general3A_8 = tpu.matmul %convert_element_type3A_4, %get3A_7, %dot_general3A {dimension_numbers = #tpu.dot_dimension_numbers<[1], [0], [0], [1], [0, 0, 1, 1], [], []>, transpose_lhs_hint = false} : vector<400x10000xbf16>, vector<10000x128xbf16>, vector<400x128xf32> -> vector<400x128xf32>
    %max3A = arith.constant 0.000000e+00 : f32
    %max3A_9 = vector.broadcast %max3A : f32 to vector<400x128xf32>
    %max3A_10 = arith.maximumf %dot_general3A_8, %max3A_9 : vector<400x128xf32>
    %convert_element_type3A_11 = arith.truncf %max3A_10 : vector<400x128xf32> to vector<400x128xbf16>
    %get3A_12 = arith.constant 1 : index
    %get3A_13 = arith.constant 0 : index
    %get3A_14 = arith.constant 0 : index
    %get3A_15 = vector.load %arg3[%get3A_12, %get3A_13, %get3A_14] : memref<2x128x128xbf16, #tpu.memory_space<vmem>>, vector<1x128x128xbf16>
    %get3A_16 = vector.shape_cast %get3A_15 : vector<1x128x128xbf16> to vector<128x128xbf16>
    %dot_general3A_17 = arith.constant dense<0.000000e+00> : vector<400x128xf32>
    %dot_general3A_18 = tpu.matmul %convert_element_type3A_11, %get3A_16, %dot_general3A_17 {dimension_numbers = #tpu.dot_dimension_numbers<[1], [0], [0], [1], [0, 0, 1, 1], [], []>, transpose_lhs_hint = false} : vector<400x128xbf16>, vector<128x128xbf16>, vector<400x128xf32> -> vector<400x128xf32>
    %convert_element_type3A_19 = arith.truncf %dot_general3A_18 : vector<400x128xf32> to vector<400x128xf8E4M3FN>
    %swap3A = arith.constant 0 : index
    %swap3A_20 = arith.constant 0 : index
    %swap3A_21 = vector.load %arg4[%swap3A, %swap3A_20] : memref<400x128xf8E4M3FN, #tpu.memory_space<vmem>>, vector<400x128xf8E4M3FN>
    tpu.vector_store %arg4[%swap3A, %swap3A_20], %convert_element_type3A_19 {strides = array<i32>} : memref<400x128xf8E4M3FN, #tpu.memory_space<vmem>>, vector<400x128xf8E4M3FN>,
    %convert_element_type3A_22 = arith.truncf %get3A_3 : vector<400x10000xf32> to vector<400x10000xf8E4M3FN>
    %swap3A_23 = arith.constant 0 : index
    %swap3A_24 = arith.constant 0 : index
    %swap3A_25 = vector.load %arg5[%swap3A_23, %swap3A_24] : memref<400x10000xf8E4M3FN, #tpu.memory_space<vmem>>, vector<400x10000xf8E4M3FN>
    tpu.vector_store %arg5[%swap3A_23, %swap3A_24], %convert_element_type3A_22 {strides = array<i32>} : memref<400x10000xf8E4M3FN, #tpu.memory_space<vmem>>, vector<400x10000xf8E4M3FN>,
    return
  }
  func.func @transform_0(%arg0: i32) -> (i32, i32) {
    %c0_i32 = arith.constant 0 : i32
    %c0_i32_0 = arith.constant 0 : i32
    return %arg0, %c0_i32 : i32, i32
  }
  func.func @transform_1(%arg0: i32) -> (i32, i32) {
    %c0_i32 = arith.constant 0 : i32
    %c0_i32_0 = arith.constant 0 : i32
    %c0_i32_1 = arith.constant 0 : i32
    return %c0_i32, %c0_i32_0 : i32, i32
  }
  func.func @transform_2(%arg0: i32) -> (i32, i32, i32) {
    %c0_i32 = arith.constant 0 : i32
    %c0_i32_0 = arith.constant 0 : i32
    %c0_i32_1 = arith.constant 0 : i32
    %c0_i32_2 = arith.constant 0 : i32
    return %c0_i32, %c0_i32_0, %c0_i32_1 : i32, i32, i32
  }
  func.func @transform_3(%arg0: i32) -> (i32, i32) {
    %c0_i32 = arith.constant 0 : i32
    %c0_i32_0 = arith.constant 0 : i32
    return %arg0, %c0_i32 : i32, i32
  }
  func.func @transform_4(%arg0: i32) -> (i32, i32) {
    %c0_i32 = arith.constant 0 : i32
    %c0_i32_0 = arith.constant 0 : i32
    return %arg0, %c0_i32 : i32, i32
  }
}

module attributes {stable_mosaic.version = 14 : i64} {
  func.func @_layer2_body(%arg0: i32, %arg1: memref<2000x10000xf8E4M3FN, #tpu.memory_space<vmem>>, %arg2: memref<10000x128xf8E4M3FN, #tpu.memory_space<vmem>>, %arg3: memref<2000x128xf32, #tpu.memory_space<vmem>>) attributes {dimension_semantics = [#tpu.dimension_semantics<arbitrary>], iteration_bounds = array<i64: 5>, scalar_prefetch = 0 : i64, scratch_operands = 0 : i64, tpu.core_type = #tpu.core_type<tc>, window_params = [{transform_indices = @transform_0, window_bounds = array<i64: 2000, 10000>}, {pipeline_mode = #tpu.pipeline_mode<synchronous>, transform_indices = @transform_1, window_bounds = array<i64: 10000, 128>}, {transform_indices = @transform_2, window_bounds = array<i64: 2000, 128>}]} {
    %get3A = arith.constant 0 : index
    %get3A_0 = arith.constant 0 : index
    %get3A_1 = vector.load %arg1[%get3A, %get3A_0] : memref<2000x10000xf8E4M3FN, #tpu.memory_space<vmem>>, vector<2000x10000xf8E4M3FN>
    %get3A_2 = arith.constant 0 : index
    %get3A_3 = arith.constant 0 : index
    %get3A_4 = vector.load %arg2[%get3A_2, %get3A_3] : memref<10000x128xf8E4M3FN, #tpu.memory_space<vmem>>, vector<10000x128xf8E4M3FN>
    %dot_general3A = arith.constant dense<0.000000e+00> : vector<2000x128xf32>
    %dot_general3A_5 = tpu.matmul %get3A_1, %get3A_4, %dot_general3A {dimension_numbers = #tpu.dot_dimension_numbers<[1], [0], [0], [1], [0, 0, 1, 1], [], []>, transpose_lhs_hint = false} : vector<2000x10000xf8E4M3FN>, vector<10000x128xf8E4M3FN>, vector<2000x128xf32> -> vector<2000x128xf32>
    %max3A = arith.constant 0.000000e+00 : f32
    %max3A_6 = vector.broadcast %max3A : f32 to vector<2000x128xf32>
    %max3A_7 = arith.maximumf %dot_general3A_5, %max3A_6 : vector<2000x128xf32>
    %swap3A = arith.constant 0 : index
    %swap3A_8 = arith.constant 0 : index
    %swap3A_9 = vector.load %arg3[%swap3A, %swap3A_8] : memref<2000x128xf32, #tpu.memory_space<vmem>>, vector<2000x128xf32>
    tpu.vector_store %arg3[%swap3A, %swap3A_8], %max3A_7 {strides = array<i32>} : memref<2000x128xf32, #tpu.memory_space<vmem>>, vector<2000x128xf32>,
    return
  }
  func.func @transform_0(%arg0: i32) -> (i32, i32) {
    %c0_i32 = arith.constant 0 : i32
    %c0_i32_0 = arith.constant 0 : i32
    return %arg0, %c0_i32 : i32, i32
  }
  func.func @transform_1(%arg0: i32) -> (i32, i32) {
    %c0_i32 = arith.constant 0 : i32
    %c0_i32_0 = arith.constant 0 : i32
    %c0_i32_1 = arith.constant 0 : i32
    return %c0_i32, %c0_i32_0 : i32, i32
  }
  func.func @transform_2(%arg0: i32) -> (i32, i32) {
    %c0_i32 = arith.constant 0 : i32
    %c0_i32_0 = arith.constant 0 : i32
    return %arg0, %c0_i32 : i32, i32
  }
}

module attributes {stable_mosaic.version = 14 : i64} {
  func.func @_mlp_body(%arg0: i32, %arg1: memref<2048x128xf32, #tpu.memory_space<vmem>>, %arg2: memref<2048x128xf32, #tpu.memory_space<vmem>>, %arg3: memref<16x128xi32, #tpu.memory_space<vmem>>, %arg4: memref<256x128xf32, #tpu.memory_space<vmem>>, %arg5: memref<1x128xf32, #tpu.memory_space<vmem>>, %arg6: memref<128x2xf32, #tpu.memory_space<vmem>>, %arg7: memref<1x2xf32, #tpu.memory_space<vmem>>, %arg8: memref<1x1xf32, #tpu.memory_space<vmem>>) attributes {dimension_semantics = [#tpu.dimension_semantics<arbitrary>], iteration_bounds = array<i64: 8>, scalar_prefetch = 0 : i64, scratch_operands = 0 : i64, tpu.core_type = #tpu.core_type<tc>, window_params = [{transform_indices = @transform_0, window_bounds = array<i64: 2048, 128>}, {transform_indices = @transform_1, window_bounds = array<i64: 2048, 128>}, {transform_indices = @transform_2, window_bounds = array<i64: 16, 128>}, {pipeline_mode = #tpu.pipeline_mode<synchronous>, transform_indices = @transform_3, window_bounds = array<i64: 256, 128>}, {pipeline_mode = #tpu.pipeline_mode<synchronous>, transform_indices = @transform_4, window_bounds = array<i64: 1, 128>}, {pipeline_mode = #tpu.pipeline_mode<synchronous>, transform_indices = @transform_5, window_bounds = array<i64: 128, 2>}, {pipeline_mode = #tpu.pipeline_mode<synchronous>, transform_indices = @transform_6, window_bounds = array<i64: 1, 2>}, {pipeline_mode = #tpu.pipeline_mode<synchronous>, transform_indices = @transform_7, window_bounds = array<i64: 1, 1>}]} {
    %get3A = arith.constant 0 : index
    %get3A_0 = arith.constant 0 : index
    %get3A_1 = vector.load %arg4[%get3A, %get3A_0] : memref<256x128xf32, #tpu.memory_space<vmem>>, vector<256x128xf32>
    %convert_element_type3A = arith.truncf %get3A_1 : vector<256x128xf32> to vector<256x128xbf16>
    %get3A_2 = arith.constant 0 : index
    %get3A_3 = arith.constant 0 : index
    %get3A_4 = vector.load %arg1[%get3A_2, %get3A_3] : memref<2048x128xf32, #tpu.memory_space<vmem>>, vector<2048x128xf32>
    %convert_element_type3A_5 = arith.truncf %get3A_4 : vector<2048x128xf32> to vector<2048x128xbf16>
    %slice3A = vector.extract_strided_slice %convert_element_type3A {offsets = [0, 0], sizes = [128, 128], strides = [1, 1]} : vector<256x128xbf16> to vector<128x128xbf16>
    %dot_general3A = arith.constant dense<0.000000e+00> : vector<2048x128xf32>
    %dot_general3A_6 = tpu.matmul %convert_element_type3A_5, %slice3A, %dot_general3A {dimension_numbers = #tpu.dot_dimension_numbers<[1], [0], [0], [1], [0, 0, 1, 1], [], []>, transpose_lhs_hint = false} : vector<2048x128xbf16>, vector<128x128xbf16>, vector<2048x128xf32> -> vector<2048x128xf32>
    %get3A_7 = arith.constant 0 : index
    %get3A_8 = arith.constant 0 : index
    %get3A_9 = vector.load %arg2[%get3A_7, %get3A_8] : memref<2048x128xf32, #tpu.memory_space<vmem>>, vector<2048x128xf32>
    %convert_element_type3A_10 = arith.truncf %get3A_9 : vector<2048x128xf32> to vector<2048x128xbf16>
    %slice3A_11 = vector.extract_strided_slice %convert_element_type3A {offsets = [128, 0], sizes = [128, 128], strides = [1, 1]} : vector<256x128xbf16> to vector<128x128xbf16>
    %dot_general3A_12 = arith.constant dense<0.000000e+00> : vector<2048x128xf32>
    %dot_general3A_13 = tpu.matmul %convert_element_type3A_10, %slice3A_11, %dot_general3A_12 {dimension_numbers = #tpu.dot_dimension_numbers<[1], [0], [0], [1], [0, 0, 1, 1], [], []>, transpose_lhs_hint = false} : vector<2048x128xbf16>, vector<128x128xbf16>, vector<2048x128xf32> -> vector<2048x128xf32>
    %add3A = arith.addf %dot_general3A_6, %dot_general3A_13 : vector<2048x128xf32>
    %get3A_14 = arith.constant 0 : index
    %get3A_15 = arith.constant 0 : index
    %get3A_16 = vector.load %arg5[%get3A_14, %get3A_15] : memref<1x128xf32, #tpu.memory_space<vmem>>, vector<1x128xf32>
    %add3A_17 = vector.broadcast %get3A_16 : vector<1x128xf32> to vector<2048x128xf32>
    %add3A_18 = arith.addf %add3A, %add3A_17 : vector<2048x128xf32>
    %max3A = arith.constant 0.000000e+00 : f32
    %max3A_19 = vector.broadcast %max3A : f32 to vector<2048x128xf32>
    %max3A_20 = arith.maximumf %add3A_18, %max3A_19 : vector<2048x128xf32>
    %get3A_21 = arith.constant 0 : index
    %get3A_22 = arith.constant 0 : index
    %get3A_23 = vector.load %arg6[%get3A_21, %get3A_22] : memref<128x2xf32, #tpu.memory_space<vmem>>, vector<128x2xf32>
    %dot_general3A_24 = arith.constant dense<0.000000e+00> : vector<2048x2xf32>
    %dot_general3A_25 = tpu.matmul %max3A_20, %get3A_23, %dot_general3A_24 {dimension_numbers = #tpu.dot_dimension_numbers<[1], [0], [0], [1], [0, 0, 1, 1], [], []>, transpose_lhs_hint = false} : vector<2048x128xf32>, vector<128x2xf32>, vector<2048x2xf32> -> vector<2048x2xf32>
    %get3A_26 = arith.constant 0 : index
    %get3A_27 = arith.constant 0 : index
    %get3A_28 = vector.load %arg7[%get3A_26, %get3A_27] : memref<1x2xf32, #tpu.memory_space<vmem>>, vector<1x2xf32>
    %slice3A_29 = vector.extract_strided_slice %dot_general3A_25 {offsets = [0, 1], sizes = [2048, 1], strides = [1, 1]} : vector<2048x2xf32> to vector<2048x1xf32>
    %slice3A_30 = vector.extract_strided_slice %dot_general3A_25 {offsets = [0, 0], sizes = [2048, 1], strides = [1, 1]} : vector<2048x2xf32> to vector<2048x1xf32>
    %sub3A = arith.subf %slice3A_29, %slice3A_30 : vector<2048x1xf32>
    %slice3A_31 = vector.extract_strided_slice %get3A_28 {offsets = [0, 1], sizes = [1, 1], strides = [1, 1]} : vector<1x2xf32> to vector<1x1xf32>
    %slice3A_32 = vector.extract_strided_slice %get3A_28 {offsets = [0, 0], sizes = [1, 1], strides = [1, 1]} : vector<1x2xf32> to vector<1x1xf32>
    %sub3A_33 = arith.subf %slice3A_31, %slice3A_32 : vector<1x1xf32>
    %add3A_34 = vector.broadcast %sub3A_33 : vector<1x1xf32> to vector<2048x1xf32>
    %add3A_35 = arith.addf %sub3A, %add3A_34 : vector<2048x1xf32>
    %mul3A = arith.constant 5.000000e-01 : f32
    %mul3A_36 = vector.broadcast %mul3A : f32 to vector<2048x1xf32>
    %mul3A_37 = arith.mulf %add3A_35, %mul3A_36 : vector<2048x1xf32>
    %reshape3A = vector.shape_cast %mul3A_37 : vector<2048x1xf32> to vector<16x128xf32>
    %tanh3A = math.tanh %reshape3A : vector<16x128xf32>
    %get3A_38 = arith.constant 0 : index
    %get3A_39 = arith.constant 0 : index
    %get3A_40 = vector.load %arg3[%get3A_38, %get3A_39] : memref<16x128xi32, #tpu.memory_space<vmem>>, vector<16x128xi32>
    %convert_element_type3A_41 = arith.sitofp %get3A_40 : vector<16x128xi32> to vector<16x128xf32>
    %mul3A_42 = arith.constant 2.000000e+00 : f32
    %mul3A_43 = vector.broadcast %mul3A_42 : f32 to vector<16x128xf32>
    %mul3A_44 = arith.mulf %mul3A_43, %convert_element_type3A_41 : vector<16x128xf32>
    %sub3A_45 = arith.constant 1.000000e+00 : f32
    %sub3A_46 = vector.broadcast %sub3A_45 : f32 to vector<16x128xf32>
    %sub3A_47 = arith.subf %sub3A_46, %mul3A_44 : vector<16x128xf32>
    %mul3A_48 = arith.mulf %sub3A_47, %tanh3A : vector<16x128xf32>
    %exp3A = math.exp %mul3A_48 : vector<16x128xf32>
    %log1p3A = math.log1p %exp3A : vector<16x128xf32>
    %reduce_sum3A = vector.shape_cast %log1p3A : vector<16x128xf32> to vector<1x16x128xf32>
    %reduce_sum3A_49 = arith.constant dense<0.000000e+00> : vector<1xf32>
    %reduce_sum3A_50 = vector.multi_reduction <add>, %reduce_sum3A, %reduce_sum3A_49 [1, 2] : vector<1x16x128xf32> to vector<1xf32>
    %reduce_sum3A_51 = vector.shape_cast %reduce_sum3A_50 : vector<1xf32> to vector<1x1x1xf32>
    %reduce_sum3A_52 = vector.extract %reduce_sum3A_51[0, 0, 0] : f32 from vector<1x1x1xf32>
    %mul3A_53 = arith.constant 6.10351563E-5 : f32
    %mul3A_54 = arith.mulf %reduce_sum3A_52, %mul3A_53 : f32
    %eq3A = arith.constant 0 : i32
    %eq3A_55 = arith.cmpi eq, %arg0, %eq3A : i32
    %convert_element_type3A_56 = arith.extui %eq3A_55 : i1 to i32
    %cond3A = arith.constant 0 : i32
    %cond3A_57 = arith.cmpi ne, %convert_element_type3A_56, %cond3A : i32
    scf.if %cond3A_57 {
      %broadcast_in_dim3A = arith.constant 0.000000e+00 : f32
      %broadcast_in_dim3A_65 = vector.broadcast %broadcast_in_dim3A : f32 to vector<1x1xf32>
      %swap3A_66 = arith.constant 0 : index
      %swap3A_67 = arith.constant 0 : index
      %swap3A_68 = vector.load %arg8[%swap3A_66, %swap3A_67] : memref<1x1xf32, #tpu.memory_space<vmem>>, vector<1x1xf32>
      tpu.vector_store %arg8[%swap3A_66, %swap3A_67], %broadcast_in_dim3A_65 {strides = array<i32>} : memref<1x1xf32, #tpu.memory_space<vmem>>, vector<1x1xf32>,
    } else {
    }
    %get3A_58 = arith.constant 0 : index
    %get3A_59 = arith.constant 0 : index
    %get3A_60 = vector.load %arg8[%get3A_58, %get3A_59] : memref<1x1xf32, #tpu.memory_space<vmem>>, vector<1x1xf32>
    %add3A_61 = vector.broadcast %mul3A_54 : f32 to vector<1x1xf32>
    %add3A_62 = arith.addf %get3A_60, %add3A_61 : vector<1x1xf32>
    %swap3A = arith.constant 0 : index
    %swap3A_63 = arith.constant 0 : index
    %swap3A_64 = vector.load %arg8[%swap3A, %swap3A_63] : memref<1x1xf32, #tpu.memory_space<vmem>>, vector<1x1xf32>
    tpu.vector_store %arg8[%swap3A, %swap3A_63], %add3A_62 {strides = array<i32>} : memref<1x1xf32, #tpu.memory_space<vmem>>, vector<1x1xf32>,
    return
  }
  func.func @transform_0(%arg0: i32) -> (i32, i32) {
    %c0_i32 = arith.constant 0 : i32
    %c0_i32_0 = arith.constant 0 : i32
    return %arg0, %c0_i32 : i32, i32
  }
  func.func @transform_1(%arg0: i32) -> (i32, i32) {
    %add3A = arith.constant 8 : i32
    %add3A_0 = arith.addi %add3A, %arg0 : i32
    %c0_i32 = arith.constant 0 : i32
    %c0_i32_1 = arith.constant 0 : i32
    return %add3A_0, %c0_i32 : i32, i32
  }
  func.func @transform_2(%arg0: i32) -> (i32, i32) {
    %c0_i32 = arith.constant 0 : i32
    %c0_i32_0 = arith.constant 0 : i32
    return %arg0, %c0_i32 : i32, i32
  }
  func.func @transform_3(%arg0: i32) -> (i32, i32) {
    %c0_i32 = arith.constant 0 : i32
    %c0_i32_0 = arith.constant 0 : i32
    %c0_i32_1 = arith.constant 0 : i32
    return %c0_i32, %c0_i32_0 : i32, i32
  }
  func.func @transform_4(%arg0: i32) -> (i32, i32) {
    %c0_i32 = arith.constant 0 : i32
    %c0_i32_0 = arith.constant 0 : i32
    %c0_i32_1 = arith.constant 0 : i32
    return %c0_i32, %c0_i32_0 : i32, i32
  }
  func.func @transform_5(%arg0: i32) -> (i32, i32) {
    %c0_i32 = arith.constant 0 : i32
    %c0_i32_0 = arith.constant 0 : i32
    %c0_i32_1 = arith.constant 0 : i32
    return %c0_i32, %c0_i32_0 : i32, i32
  }
  func.func @transform_6(%arg0: i32) -> (i32, i32) {
    %c0_i32 = arith.constant 0 : i32
    %c0_i32_0 = arith.constant 0 : i32
    %c0_i32_1 = arith.constant 0 : i32
    return %c0_i32, %c0_i32_0 : i32, i32
  }
  func.func @transform_7(%arg0: i32) -> (i32, i32) {
    %c0_i32 = arith.constant 0 : i32
    %c0_i32_0 = arith.constant 0 : i32
    %c0_i32_1 = arith.constant 0 : i32
    return %c0_i32, %c0_i32_0 : i32, i32
  }
}

</mosaic_0001>

<sc_bundles>
// kernel: kernel.6.cloned.1.call-start
scs
__scs_entry_jumppad:
0x0: {  	(pc) =	sbr.rel $0x88, $3  }
0x1: {  	(tag) =	ssettag $0x0;
	lr =	simm.s32 $0x1  }
0x2: {  	[smem:$0x3F98] =	sst lr;
	_ =	strace $0xD0000000  }
0x3: {  	_ = 	snop  }
0x4: {  	_ = 	snop  }
0x5: {  	_ = 	snop  }
0x6: {  	_ = 	snop  }
0x7: {  	_ = 	snop  }
__scs_overlays_trampoline_lowered:
0x8: {  	[smem:$0x3FA7] =	sst s0  }
0x9: {  	[smem:$0x3FA8] =	sst s1  }
0xa: {  	[smem:$0x3FA9] =	sst s2  }
0xb: {  	[smem:$0x3FAA] =	sst s3  }
0xc: {  	[smem:$0x3FAB] =	sst s4  }
0xd: {  	[smem:$0x3FAC] =	sst s5  }
0xe: {  	[smem:$0x3FAD] =	sst s6  }
0xf: {  	[smem:$0x3FAE] =	sst s7  }
0x10: {  	[smem:$0x3FAF] =	sst s8  }
0x11: {  	[smem:$0x3FB0] =	sst s9;
	s0 =	simm.s32 @!p0 $0x0  }
0x12: {  	s1 =	sld [smem:$0x3F96];
	s0 =	simm.s32 @p0 $0x1  }
0x13: {  	[smem:$0x3FB1] =	sst s0;
	s0 =	simm.s32 @!p1 $0x0  }
0x14: {  	s2 =	sld [smem:$0x3F95];
	s0 =	simm.s32 @p1 $0x1  }
0x15: {  	[smem:$0x3FB2] =	sst s0;
	s0 =	simm.s32 @!p2 $0x0  }
0x16: {  	s3 =	sld [smem:$0x3FDB];
	s0 =	simm.s32 @p2 $0x1  }
0x17: {  	s4 =	simm.s32 $0x1BF5;
	[smem:$0x3FB4] =	sst s0  }
0x18: {  	s0 =	sld [smem:$0x3F97];
	_ =	swait.ge [sflag:s4], $0x0  }
0x19: {  	s7 =	sld [smem:$0x3F98]  }
0x1a: {  	s8 =	sadd.s32 $0xFFFFE003, lr  }
0x1b: {  	s9 =	sadd.s32 $0xFFFFFEF7, lr;
	s5 =	simm.s32 $0xFFFFFFFF;
	p2 =	slt.u32 s8, $0xFFFFF086  }
0x1c: {  	p1 =	slt.u32 s9, $0xF7A;
	s5 =	simm.s32 @!p2 $0x0  }
0x1d: {  	s5 =	simm.s32 @p1 $0x1;
	p0 =	seq.s32 s7, s2  }
0x1e: {  	s7 =	smul.u32 @!p0 $0xF7A, s2;
	p2 =	seq.s32 @!p0 s5, $0x0  }
0x1f: {  	s9 =	smul.u32 $0xF7A, s1;
	s8 =	simm.s32 @!p0 $0x1BF5;
	p2 =	por !p2, p0  }
0x20: {  	[sflag:s8] =	ssyncset.s32 @!p0 $0xFFFFF086;
	s6 =	sadd.s32 @!p0 s3, s7;
	s7 =	simm.s32 @!p0 $0x108  }
0x21: {  	s3 =	sadd.s32 s3, s9;
	s6 =	sadd.s32 @!p0 $0x88, s6;
	s7 =	simm.s32 @p2 $0x1082  }
0x22: {  	[simem:s7], [sflag:s8] =	dma.local @!p0 [hbm:s6], $0xF7A  }
0x23: {  	s9 =	sor.u32 $0xD0000000, s2;
	s6 =	simm.s32 $0x108;
	_ =	swait.ge @!p0 [sflag:s8], $0x0  }
0x24: {  	s3 =	sadd.s32 $0x88, s3;
	s6 =	simm.s32 @!p1 $0x1082;
	[sflag:s4] =	ssyncset.s32 $0xFFFFF086  }
0x25: {  	[simem:s6], [sflag:s4] =	dma.local [hbm:s3], $0xF7A  }
0x26: {  	[smem:$0x3F98] =	sst s1;
	(tag) =	ssettag s2;
	_ =	strace s9  }
0x27: {  	s1 =	sld [smem:$0x3FA8]  }
0x28: {  	s2 =	sld [smem:$0x3FA9]  }
0x29: {  	s4 =	sld [smem:$0x3FAB]  }
0x2a: {  	p0 =	seq.s32 s5, $0x0;
	s5 =	sld [smem:$0x3FAC]  }
0x2b: {  	s6 =	sld [smem:$0x3FAD]  }
0x2c: {  	s7 =	sld [smem:$0x3FAE]  }
0x2d: {  	s3 =	simm.s32 $0x108;
	s8 =	sld [smem:$0x3FAF]  }
0x2e: {  	s3 =	simm.s32 @!p0 $0x1082;
	s9 =	sld [smem:$0x3FB0]  }
0x2f: {  	lr =	sadd.s32 s0, s3;
	s0 =	sld [smem:$0x3FA7]  }
0x30: {  	s3 =	sld [smem:$0x3FAA]  }
0x31: {  	[smem:$0x3FB3] =	sst s10  }
0x32: {  	s10 =	sld [smem:$0x3FB1];
	_ =	sdelay $0x3  }
0x33: {  	p0 =	seq.s32 s10, $0x1;
	s10 =	sld [smem:$0x3FB3];
	_ =	sdelay $0x3  }
0x34: {  	[smem:$0x3FB3] =	sst s10  }
0x35: {  	s10 =	sld [smem:$0x3FB2];
	_ =	sdelay $0x3  }
0x36: {  	p1 =	seq.s32 s10, $0x1;
	s10 =	sld [smem:$0x3FB3];
	_ =	sdelay $0x3  }
0x37: {  	[smem:$0x3FB3] =	sst s10  }
0x38: {  	s10 =	sld [smem:$0x3FB4]  }
0x39: {  	_ = 	snop;
	(pc) =	sbr.ind lr, $3  }
0x3a: {  	_ = 	snop  }
0x3b: {  	_ = 	snop  }
0x3c: {  	p2 =	seq.s32 s10, $0x1;
	s10 =	sld [smem:$0x3FB3]  }
0x3d: {  	_ =	shalt  }
0x3e: {  	_ =	shalt  }
0x3f: {  	_ =	shalt  }
0x40: {  	_ =	shalt  }
0x41: {  	_ =	shalt  }
0x42: {  	_ =	shalt  }
0x43: {  	_ =	shalt  }
0x44: {  	_ =	shalt  }
0x45: {  	_ =	shalt  }
0x46: {  	_ =	shalt  }
0x47: {  	_ =	shalt  }
0x48: {  	_ =	shalt  }
0x49: {  	_ =	shalt  }
0x4a: {  	_ =	shalt  }
0x4b: {  	_ =	shalt  }
0x4c: {  	_ =	shalt  }
0x4d: {  	_ =	shalt  }
0x4e: {  	_ =	shalt  }
0x4f: {  	_ =	shalt  }
0x50: {  	_ =	shalt  }
0x51: {  	_ =	shalt  }
0x52: {  	_ =	shalt  }
0x53: {  	_ =	shalt  }
0x54: {  	_ =	shalt  }
0x55: {  	_ =	shalt  }
0x56: {  	_ =	shalt  }
0x57: {  	_ =	shalt  }
0x58: {  	_ =	shalt  }
0x59: {  	_ =	shalt  }
0x5a: {  	_ =	shalt  }
0x5b: {  	_ =	shalt  }
0x5c: {  	_ =	shalt  }
0x5d: {  	_ =	shalt  }
0x5e: {  	_ =	shalt  }
0x5f: {  	_ =	shalt  }
0x60: {  	_ =	shalt  }
0x61: {  	_ =	shalt  }
0x62: {  	_ =	shalt  }
0x63: {  	_ =	shalt  }
0x64: {  	_ =	shalt  }
0x65: {  	_ =	shalt  }
0x66: {  	_ =	shalt  }
0x67: {  	_ =	shalt  }
0x68: {  	_ =	shalt  }
0x69: {  	_ =	shalt  }
0x6a: {  	_ =	shalt  }
0x6b: {  	_ =	shalt  }
0x6c: {  	_ =	shalt  }
0x6d: {  	_ =	shalt  }
0x6e: {  	_ =	shalt  }
0x6f: {  	_ =	shalt  }
0x70: {  	_ =	shalt  }
0x71: {  	_ =	shalt  }
0x72: {  	_ =	shalt  }
0x73: {  	_ =	shalt  }
0x74: {  	_ =	shalt  }
0x75: {  	_ =	shalt  }
0x76: {  	_ =	shalt  }
0x77: {  	_ =	shalt  }
0x78: {  	_ =	shalt  }
0x79: {  	_ =	shalt  }
0x7a: {  	_ =	shalt  }
0x7b: {  	_ =	shalt  }
0x7c: {  	_ =	shalt  }
0x7d: {  	_ =	shalt  }
0x7e: {  	_ =	shalt  }
0x7f: {  	_ =	shalt  }
0x80: {  	_ =	shalt  }
0x81: {  	_ =	shalt  }
0x82: {  	_ =	shalt  }
0x83: {  	_ =	shalt  }
0x84: {  	_ =	shalt  }
0x85: {  	_ =	shalt  }
0x86: {  	_ =	shalt  }
0x87: {  	_ =	shalt  }
.Lfunc_end0:
.L_simem_size_0:
called_computation_lowered:
.L_overlay_start_0:
0x88: {  	s2 =	sld [smem:$0x3FD9]  }
0x89: {  	s3 =	sld [smem:$0x3FFE];
	_ =	sdelay $0x1  }
0x8a: {  	s1 =	srdreg.scid  }
0x8b: {  	s0 =	sand.u32 $0x1, s1  }
0x8c: {  	s16 =	sshll.u32 s0, $0xA;
	s2 =	sadd.s32 s3, s2  }
0x8d: {  	s2 =	sadd.s32 s2, s16  }
0x8e: {  	[smem:$0x3FBF] =	sst s2  }
0x8f: {  	_ = 	snop  }
0x90: {  	(tm) =	ssettm $0x1  }
0x91: {  	s17 =	sld [smem:$0x3FFB];
	_ =	sdelay $0x3  }
0x92: {  	_ =	strace s17  }
0x93: {  	s2 =	sld [smem:$0x3FFC];
	_ =	sdelay $0x3  }
0x94: {  	_ =	strace s2  }
0x95: {  	s2 =	sld [smem:$0x3FFD];
	_ =	sdelay $0x3  }
0x96: {  	_ =	strace s2  }
0x97: {  	_ =	strace $0x8FFFFFFF  }
0x98: {  	s18 =	sld [smem:$0x3FDB];
	_ =	sdelay $0x1  }
0x99: {  	s19 =	simm.s32 $_scs_section_size  }
0x9a: {  	s4 =	simm.s32 $_size__tile_overlayer_lowered;
	s5 =	simm.s32 $_tile_overlayer_lowered  }
0x9b: {  	s22 =	simm.s32 $0x1BFF;
	s21 =	sshll.u32 s5, $0x1;
	s2 =	sadd.s32 s19, s18  }
0x9c: {  	s6 =	simm.s32 $0x0;
	s20 =	sshll.u32 s4, $0x1;
	s4 =	sadd.s32 s21, s2  }
0x9d: {  	[timem:s6], [sflag:s22] =	dma.local [hbm:s4], s20  }
0x9e: {  	_ =	swait.ge [sflag:s22], s20  }
0x9f: {  	s3 =	ssub.s32 $0x0, s20;
	[sflag:s22] =	ssyncset.done $0x0  }
0xa0: {  	[sflag:s22] =	ssyncadd.s32 s3;
	_ =	sdelay $0x1  }
0xa1: {  	s23 =	simm.s32 $0x1B8B  }
0xa2: {  	_ =	swait.ge [sflag:s23], $0x1  }
0xa3: {  	[sflag:s23] =	ssyncset.done $0x0  }
0xa4: {  	s25 =	simm.s32 $0x1B8E;
	s24 =	sld [smem:$0x3FFE];
	[sflag:s23] =	ssyncadd.s32 $0xFFFFFFFF  }
0xa5: {  	s26 =	simm.s32 $execute0_lowered;
	[smem:$0x3FD2] =	sst s25  }
0xa6: {  	s4 =	sshll.u32 s26, $0x1;
	_ =	strace $0x80000046;
	[dreg:$0x1] =	wrdreg $0xFFFFFFFF  }
0xa7: {  	s28 =	simm.s32 $_size_execute0_lowered;
	s2 =	sadd.s32 s2, s4;
	[dreg:$0x0] =	wrdreg $0x0  }
0xa8: {  	s4 =	sshll.u32 s28, $0x1;
	[dreg:$0x2] =	wrdreg s2  }
0xa9: {  	[dreg:$0x3] =	wrdreg s4  }
0xaa: {  	[dreg:$0x4] =	wrdreg $0xC0  }
0xab: {  	_ =	task [dreg:s6], $0x5FFFF  }
0xac: {  	[dreg:$0x1] =	wrdreg $0xFFFFFFFF  }
0xad: {  	[dreg:$0x0] =	wrdreg $0x60  }
0xae: {  	[dreg:$0x2] =	wrdreg s24  }
0xaf: {  	[dreg:$0x3] =	wrdreg $0x9  }
0xb0: {  	_ =	task.clear_ibuf [dreg:s6], $0x4FFFF;
	_ =	strace $0x90000046  }
0xb1: {  	s29 =	simm.s32 $0x9;
	_ =	strace $0x80000048  }
0xb2: {  	_ =	swait.ge [sflag:s29], $0x1  }
0xb3: {  	[sflag:s29] =	ssyncadd.s32 $0xFFFFFFFF  }
0xb4: {  	_ =	strace $0x90000048  }
0xb5: {  	_ =	sfence  }
0xb6: {  	s30 =	sld [smem:$0x0];
	_ =	sdelay $0x2  }
0xb7: {  	s31 =	sshll.u32 s1, $0xD;
	s1 =	sshrl.u32 s1, $0x2  }
0xb8: {  	s3 =	sand.u32 $0x4000, s31;
	s1 =	sadd.s32 s1, s30  }
0xb9: {  	s0 =	sor.u32 s3, s0;
	s1 =	sshll.u32 s1, $0x11  }
0xba: {  	s0 =	sor.u32 s1, s0  }
0xbb: {  	s0 =	sadd.s32 $0x8F2B, s0  }
0xbc: {  	[sflag:s0] =	ssyncadd.remote.s32 $0x1  }
0xbd: {  	_ =	sfence.sel $0xFFFF  }
0xbe: {  	[dreg:$0x0] =	wrdreg $0xFFFFFFFF;
	(pc) =	sbr.abs _section_cstart, $3  }
0xbf: {  	[dreg:$0x1] =	wrdreg $0xFFFFFFFF  }
0xc0: {  	_ =	task.clear_ibuf [dreg:s6], $0x2FFFF;
	_ =	strace $0x9FFFFFFF  }
0xc1: {  	(tm) =	ssettm $0x7FFFFFFF  }
tec
execute0_lowered:
.L_overlay_start_1:
0x0: {  	(tag) =	ssettag $0x1  }
0x1: {  	s1 =	srdreg.scid;
	s0 =	stileid.u32  }
0x2: {  	s1 =	sand.u32 $0x1, s1;
	s2 =	sshll.u32 s0, $0x1  }
0x3: {  	s3 =	sor.u32 s1, s2  }
0x4: {  	s4 =	rddreg [dreg:$0x0];
	s5 =	sshll.u32 s3, $0x7  }
0x5: {  	s2 =	simm.s32 $0x0;
	s3 =	sshll.u32 s3, $0xE;
	s5 =	sadd.s32 s5, s4  }
0x6: {  	[smem:$0x7FF] =	sst s2;
	s31 =	sadd.s32 s3, s4;
	s5 =	sadd.s32 $0x1400, s5  }
0x7: {  	_ =	strace $0x80000047;
	s3 =	sadd.s32 $0x2400, s31;
	[dreg:$0x2] =	wrdreg s5  }
0x8: {  	[dreg:$0x3] =	wrdreg s3  }
0x9: {  	s3 =	simm.s32 $0x9;
	s5 =	rddreg [dreg:$0x2]  }
0xa: {  	[tilespmem:s2], [sflag:$0x9] =	stream.linear.gather [hbm4b:s5+s2], $0x400, $0x38;
	[tilespmem:$0x10400] =	vst v63  }
0xb: {  	_ =	swait.ge [sflag:s3], $0x400  }
0xc: {  	s6 =	simm.s32 $0x400;
	[sflag:s3] =	ssyncset.done $0x0  }
0xd: {  	s4 =	sadd.s32 $0x30F200, s4;
	s5 =	simm.s32 $0x80;
	[sflag:s3] =	ssyncadd.s32 $0xFFFFFC00  }
0xe: {  	[tilespmem:s6], [sflag:$0x1] =	stream.indirect.gather [hbm4b:s4+s5], $0x80, s2, s5, $0xb8;
	[tilespmem:$0x10400] =	vst v63  }
0xf: {  	s7 =	simm.s32 $0x4400  }
0x10: {  	[tilespmem:s7], [sflag:$0x2] =	stream.indirect.gather [hbm4b:s4+s5], $0x80, s5, s5, $0xb8;
	[tilespmem:$0x10400] =	vst v63  }
0x11: {  	s8 =	simm.s32 $0x100;
	s9 =	simm.s32 $0x8400  }
0x12: {  	[tilespmem:s9], [sflag:$0x3] =	stream.indirect.gather [hbm4b:s4+s5], $0x80, s8, s5, $0xb8;
	[tilespmem:$0x10400] =	vst v63  }
0x13: {  	s10 =	simm.s32 $0x180;
	s11 =	simm.s32 $0xC400;
	s12 =	simm.s32 $0x1  }
0x14: {  	[tilespmem:s11], [sflag:$0x4] =	stream.indirect.gather [hbm4b:s4+s5], $0x80, s10, s5, $0xb8;
	[tilespmem:$0x10400] =	vst v63  }
0x15: {  	_ =	swait.ge [sflag:s12], $0x4000  }
0x16: {  	[sflag:s12] =	ssyncset.done $0x0  }
0x17: {  	s13 =	simm.s32 $0x5;
	s14 =	rddreg [dreg:$0x3];
	[sflag:s12] =	ssyncadd.s32 $0xFFFFC000  }
0x18: {  	[hbm4b:s14+s2] =	stream.linear.scatter [tilespmem:s6], [sflag:$0x5], $0x4000, $0x38;
	[tilespmem:$0x10400] =	vst v63  }
0x19: {  	_ =	swait.ge [sflag:s13], $0x4000  }
0x1a: {  	[sflag:s13] =	ssyncset.done $0x0  }
0x1b: {  	s15 =	simm.s32 $0x2;
	s14 =	simm.s32 $0x200;
	[sflag:s13] =	ssyncadd.s32 $0xFFFFC000  }
0x1c: {  	[tilespmem:s6], [sflag:$0x1] =	stream.indirect.gather [hbm4b:s4+s5], $0x80, s14, s5, $0xb8;
	[tilespmem:$0x10400] =	vst v63  }
0x1d: {  	_ =	swait.ge [sflag:s15], $0x4000  }
0x1e: {  	[sflag:s15] =	ssyncset.done $0x0  }
0x1f: {  	s17 =	simm.s32 $0x6;
	s16 =	sadd.s32 $0x2C00, s31;
	[sflag:s15] =	ssyncadd.s32 $0xFFFFC000  }
0x20: {  	[hbm4b:s16+s2] =	stream.linear.scatter [tilespmem:s7], [sflag:$0x6], $0x4000, $0x38;
	[tilespmem:$0x10400] =	vst v63  }
0x21: {  	_ =	swait.ge [sflag:s17], $0x4000  }
0x22: {  	[sflag:s17] =	ssyncset.done $0x0  }
0x23: {  	s18 =	simm.s32 $0x280;
	s19 =	simm.s32 $0x3;
	[sflag:s17] =	ssyncadd.s32 $0xFFFFC000  }
0x24: {  	[tilespmem:s7], [sflag:$0x2] =	stream.indirect.gather [hbm4b:s4+s5], $0x80, s18, s5, $0xb8;
	[tilespmem:$0x10400] =	vst v63  }
0x25: {  	_ =	swait.ge [sflag:s19], $0x4000  }
0x26: {  	[sflag:s19] =	ssyncset.done $0x0  }
0x27: {  	s21 =	simm.s32 $0x7;
	s20 =	sadd.s32 $0x3400, s31;
	[sflag:s19] =	ssyncadd.s32 $0xFFFFC000  }
0x28: {  	[hbm4b:s20+s2] =	stream.linear.scatter [tilespmem:s9], [sflag:$0x7], $0x4000, $0x38;
	[tilespmem:$0x10400] =	vst v63  }
0x29: {  	_ =	swait.ge [sflag:s21], $0x4000  }
0x2a: {  	[sflag:s21] =	ssyncset.done $0x0  }
0x2b: {  	s22 =	simm.s32 $0x300;
	s23 =	simm.s32 $0x4;
	[sflag:s21] =	ssyncadd.s32 $0xFFFFC000  }
0x2c: {  	[tilespmem:s9], [sflag:$0x3] =	stream.indirect.gather [hbm4b:s4+s5], $0x80, s22, s5, $0xb8;
	[tilespmem:$0x10400] =	vst v63  }
0x2d: {  	_ =	swait.ge [sflag:s23], $0x4000  }
0x2e: {  	[sflag:s23] =	ssyncset.done $0x0  }
0x2f: {  	s24 =	simm.s32 $0x8;
	s25 =	sadd.s32 $0x3C00, s31;
	[sflag:s23] =	ssyncadd.s32 $0xFFFFC000  }
0x30: {  	[hbm4b:s25+s2] =	stream.linear.scatter [tilespmem:s11], [sflag:$0x8], $0x4000, $0x38;
	[tilespmem:$0x10400] =	vst v63  }
0x31: {  	_ =	swait.ge [sflag:s24], $0x4000  }
0x32: {  	[sflag:s24] =	ssyncset.done $0x0  }
0x33: {  	s26 =	simm.s32 $0x380;
	[sflag:s24] =	ssyncadd.s32 $0xFFFFC000  }
0x34: {  	[tilespmem:s11], [sflag:$0x4] =	stream.indirect.gather [hbm4b:s4+s5], $0x80, s26, s5, $0xb8;
	[tilespmem:$0x10400] =	vst v63  }
0x35: {  	_ =	swait.ge [sflag:s12], $0x4000  }
0x36: {  	[sflag:s12] =	ssyncset.done $0x0  }
0x37: {  	s28 =	sadd.s32 $0x4400, s31;
	[sflag:s12] =	ssyncadd.s32 $0xFFFFC000  }
0x38: {  	[hbm4b:s28+s2] =	stream.linear.scatter [tilespmem:s6], [sflag:$0x5], $0x4000, $0x38;
	[tilespmem:$0x10400] =	vst v63  }
0x39: {  	_ =	swait.ge [sflag:s15], $0x4000  }
0x3a: {  	[sflag:s15] =	ssyncset.done $0x0  }
0x3b: {  	s29 =	sadd.s32 $0x4C00, s31;
	[sflag:s15] =	ssyncadd.s32 $0xFFFFC000  }
0x3c: {  	[hbm4b:s29+s2] =	stream.linear.scatter [tilespmem:s7], [sflag:$0x6], $0x4000, $0x38;
	[tilespmem:$0x10400] =	vst v63  }
0x3d: {  	_ =	swait.ge [sflag:s19], $0x4000  }
0x3e: {  	[sflag:s19] =	ssyncset.done $0x0  }
0x3f: {  	s30 =	sadd.s32 $0x5400, s31;
	[sflag:s19] =	ssyncadd.s32 $0xFFFFC000  }
0x40: {  	[hbm4b:s30+s2] =	stream.linear.scatter [tilespmem:s9], [sflag:$0x7], $0x4000, $0x38;
	[tilespmem:$0x10400] =	vst v63  }
0x41: {  	_ =	swait.ge [sflag:s23], $0x4000  }
0x42: {  	[sflag:s23] =	ssyncset.done $0x0  }
0x43: {  	s31 =	sadd.s32 $0x5C00, s31;
	[sflag:s23] =	ssyncadd.s32 $0xFFFFC000  }
0x44: {  	[hbm4b:s31+s2] =	stream.linear.scatter [tilespmem:s11], [sflag:$0x8], $0x4000, $0x38;
	[tilespmem:$0x10400] =	vst v63  }
0x45: {  	s1 =	ssub.s32 $0x2, s1;
	_ =	swait.ge [sflag:s13], $0x4000  }
0x46: {  	s0 =	sshrl.u32 s1, $0x1;
	[sflag:s13] =	ssyncset.done $0x0  }
0x47: {  	s0 =	ssub.s32 s1, s0;
	[sflag:s13] =	ssyncadd.s32 $0xFFFFC000  }
0x48: {  	s0 =	smax.u32 s0, $0x1;
	_ =	swait.ge [sflag:s17], $0x4000  }
0x49: {  	p0 =	sne.s32 s0, $0x1;
	[sflag:s17] =	ssyncset.done $0x0  }
.Ltmp0:
0x4a: {  	[sflag:s17] =	ssyncadd.s32 $0xFFFFC000;
	(pc) =	sbr.rel @!p0 .LBB2_2-.Ltmp0, $4  }
0x4b: {  	_ =	swait.ge [sflag:s21], $0x4000  }
0x4c: {  	[sflag:s21] =	ssyncset.done $0x0  }
0x4d: {  	[sflag:s21] =	ssyncadd.s32 $0xFFFFC000  }
0x4e: {  	s1 =	sadd.s32 $0xFFFFFFFF, s0;
	_ =	swait.ge [sflag:s24], $0x4000  }
.LBB2_1:
0x4f: {  	[sflag:s24] =	ssyncset.done $0x0  }
0x50: {  	s0 =	rddreg [dreg:$0x2];
	[sflag:s24] =	ssyncadd.s32 $0xFFFFC000  }
0x51: {  	[tilespmem:s2], [sflag:$0x9] =	stream.linear.gather [hbm4b:s0+s2], $0x400, $0x38;
	[tilespmem:$0x10400] =	vst v63  }
0x52: {  	_ =	swait.ge [sflag:s3], $0x400  }
0x53: {  	[sflag:s3] =	ssyncset.done $0x0  }
0x54: {  	[sflag:s3] =	ssyncadd.s32 $0xFFFFFC00  }
0x55: {  	[tilespmem:s6], [sflag:$0x1] =	stream.indirect.gather [hbm4b:s4+s5], $0x80, s2, s5, $0xb8;
	[tilespmem:$0x10400] =	vst v63  }
0x56: {  	_ = 	snop  }
0x57: {  	[tilespmem:s7], [sflag:$0x2] =	stream.indirect.gather [hbm4b:s4+s5], $0x80, s5, s5, $0xb8;
	[tilespmem:$0x10400] =	vst v63  }
0x58: {  	_ = 	snop  }
0x59: {  	[tilespmem:s9], [sflag:$0x3] =	stream.indirect.gather [hbm4b:s4+s5], $0x80, s8, s5, $0xb8;
	[tilespmem:$0x10400] =	vst v63  }
0x5a: {  	_ = 	snop  }
0x5b: {  	[tilespmem:s11], [sflag:$0x4] =	stream.indirect.gather [hbm4b:s4+s5], $0x80, s10, s5, $0xb8;
	[tilespmem:$0x10400] =	vst v63  }
0x5c: {  	_ =	swait.ge [sflag:s12], $0x4000  }
0x5d: {  	[sflag:s12] =	ssyncset.done $0x0  }
0x5e: {  	s0 =	rddreg [dreg:$0x3];
	[sflag:s12] =	ssyncadd.s32 $0xFFFFC000  }
0x5f: {  	[hbm4b:s0+s2] =	stream.linear.scatter [tilespmem:s6], [sflag:$0x5], $0x4000, $0x38;
	[tilespmem:$0x10400] =	vst v63  }
0x60: {  	_ =	swait.ge [sflag:s13], $0x4000  }
0x61: {  	[sflag:s13] =	ssyncset.done $0x0  }
0x62: {  	[sflag:s13] =	ssyncadd.s32 $0xFFFFC000  }
0x63: {  	[tilespmem:s6], [sflag:$0x1] =	stream.indirect.gather [hbm4b:s4+s5], $0x80, s14, s5, $0xb8;
	[tilespmem:$0x10400] =	vst v63  }
0x64: {  	_ =	swait.ge [sflag:s15], $0x4000  }
0x65: {  	[sflag:s15] =	ssyncset.done $0x0  }
0x66: {  	[sflag:s15] =	ssyncadd.s32 $0xFFFFC000  }
0x67: {  	[hbm4b:s16+s2] =	stream.linear.scatter [tilespmem:s7], [sflag:$0x6], $0x4000, $0x38;
	[tilespmem:$0x10400] =	vst v63  }
0x68: {  	_ =	swait.ge [sflag:s17], $0x4000  }
0x69: {  	[sflag:s17] =	ssyncset.done $0x0  }
0x6a: {  	[sflag:s17] =	ssyncadd.s32 $0xFFFFC000  }
0x6b: {  	[tilespmem:s7], [sflag:$0x2] =	stream.indirect.gather [hbm4b:s4+s5], $0x80, s18, s5, $0xb8;
	[tilespmem:$0x10400] =	vst v63  }
0x6c: {  	_ =	swait.ge [sflag:s19], $0x4000  }
0x6d: {  	[sflag:s19] =	ssyncset.done $0x0  }
0x6e: {  	[sflag:s19] =	ssyncadd.s32 $0xFFFFC000  }
0x6f: {  	[hbm4b:s20+s2] =	stream.linear.scatter [tilespmem:s9], [sflag:$0x7], $0x4000, $0x38;
	[tilespmem:$0x10400] =	vst v63  }
0x70: {  	_ =	swait.ge [sflag:s21], $0x4000  }
0x71: {  	[sflag:s21] =	ssyncset.done $0x0  }
0x72: {  	[sflag:s21] =	ssyncadd.s32 $0xFFFFC000  }
0x73: {  	[tilespmem:s9], [sflag:$0x3] =	stream.indirect.gather [hbm4b:s4+s5], $0x80, s22, s5, $0xb8;
	[tilespmem:$0x10400] =	vst v63  }
0x74: {  	_ =	swait.ge [sflag:s23], $0x4000  }
0x75: {  	[sflag:s23] =	ssyncset.done $0x0  }
0x76: {  	[sflag:s23] =	ssyncadd.s32 $0xFFFFC000  }
0x77: {  	[hbm4b:s25+s2] =	stream.linear.scatter [tilespmem:s11], [sflag:$0x8], $0x4000, $0x38;
	[tilespmem:$0x10400] =	vst v63  }
0x78: {  	_ =	swait.ge [sflag:s24], $0x4000  }
0x79: {  	[sflag:s24] =	ssyncset.done $0x0  }
0x7a: {  	[sflag:s24] =	ssyncadd.s32 $0xFFFFC000  }
0x7b: {  	[tilespmem:s11], [sflag:$0x4] =	stream.indirect.gather [hbm4b:s4+s5], $0x80, s26, s5, $0xb8;
	[tilespmem:$0x10400] =	vst v63  }
0x7c: {  	_ =	swait.ge [sflag:s12], $0x4000  }
0x7d: {  	[sflag:s12] =	ssyncset.done $0x0  }
0x7e: {  	[sflag:s12] =	ssyncadd.s32 $0xFFFFC000  }
0x7f: {  	[hbm4b:s28+s2] =	stream.linear.scatter [tilespmem:s6], [sflag:$0x5], $0x4000, $0x38;
	[tilespmem:$0x10400] =	vst v63  }
0x80: {  	_ =	swait.ge [sflag:s15], $0x4000  }
0x81: {  	[sflag:s15] =	ssyncset.done $0x0  }
0x82: {  	[sflag:s15] =	ssyncadd.s32 $0xFFFFC000  }
0x83: {  	[hbm4b:s29+s2] =	stream.linear.scatter [tilespmem:s7], [sflag:$0x6], $0x4000, $0x38;
	[tilespmem:$0x10400] =	vst v63  }
0x84: {  	_ =	swait.ge [sflag:s19], $0x4000  }
0x85: {  	[sflag:s19] =	ssyncset.done $0x0  }
0x86: {  	[sflag:s19] =	ssyncadd.s32 $0xFFFFC000  }
0x87: {  	[hbm4b:s30+s2] =	stream.linear.scatter [tilespmem:s9], [sflag:$0x7], $0x4000, $0x38;
	[tilespmem:$0x10400] =	vst v63  }
0x88: {  	_ =	swait.ge [sflag:s23], $0x4000  }
0x89: {  	[sflag:s23] =	ssyncset.done $0x0  }
0x8a: {  	[sflag:s23] =	ssyncadd.s32 $0xFFFFC000  }
0x8b: {  	[hbm4b:s31+s2] =	stream.linear.scatter [tilespmem:s11], [sflag:$0x8], $0x4000, $0x38;
	[tilespmem:$0x10400] =	vst v63  }
0x8c: {  	_ =	swait.ge [sflag:s13], $0x4000  }
0x8d: {  	[sflag:s13] =	ssyncset.done $0x0  }
0x8e: {  	[sflag:s13] =	ssyncadd.s32 $0xFFFFC000  }
0x8f: {  	_ =	swait.ge [sflag:s17], $0x4000  }
0x90: {  	p0 =	sne.s32 s1, $0x1;
	[sflag:s17] =	ssyncset.done $0x0  }
.Ltmp1:
0x91: {  	[sflag:s17] =	ssyncadd.s32 $0xFFFFC000;
	(pc) =	sbr.rel @p0 .LBB2_1-.Ltmp1, $4  }
0x92: {  	_ =	swait.ge [sflag:s21], $0x4000  }
0x93: {  	[sflag:s21] =	ssyncset.done $0x0  }
0x94: {  	[sflag:s21] =	ssyncadd.s32 $0xFFFFC000  }
0x95: {  	s1 =	sadd.s32 $0xFFFFFFFF, s1;
	_ =	swait.ge [sflag:s24], $0x4000  }
.LBB2_2:
0x96: {  	[sflag:s24] =	ssyncset.done $0x0  }
0x97: {  	[sflag:s24] =	ssyncadd.s32 $0xFFFFC000  }
0x98: {  	_ =	sfence.sel $0x180000  }
0x99: {  	[bflag:$0x0] =	sbarrier.arrive $0xFFFF  }
0x9a: {  	_ =	strace $0x90000047  }
0x9b: {  	s0 =	stileid.u32;
	[bflag:$0x2] =	sbarrier.arrive $0xFFFF  }
0x9c: {  	p0 =	sne.s32 s0, $0x0;
	s0 =	rddreg [dreg:$0x1]  }
0x9d: {  	s0 =	sadd.s32 @!p0 $0x100000, s0  }
0x9e: {  	[sflag:s0] =	ssyncadd.tile.s32 @!p0 $0x1;
	_ =	shalt  }
.Lfunc_end2:
_tile_overlayer_lowered:
.L_overlay_start_2:
0x9f: {  	(tag) =	ssettag $0x2  }
0xa0: {  	s0 =	rddreg [dreg:$0x0];
	s2 =	stileid.u32  }
0xa1: {  	s1 =	rddreg [dreg:$0x1];
	p0 =	sne.s32 s2, $0x0  }
0xa2: {  	s3 =	rddreg [dreg:$0x2];
	[bflag:$0x3] =	sbarrier.arrive $0xFFFF;
	s2 =	simm.s32 @!p0 $0x1C09  }
0xa3: {  	[timem:s3], [sflag:s2] =	dma.local @!p0 [hbm:s0], s1  }
0xa4: {  	s0 =	simm.s32 @!p0 $0x9  }
0xa5: {  	_ =	swait.ge @!p0 [sflag:s0], s1  }
0xa6: {  	s1 =	ssub.s32 @!p0 $0x0, s1;
	[sflag:s0] =	ssyncset.done @!p0 $0x0  }
0xa7: {  	[sflag:s0] =	ssyncadd.s32 @!p0 s1  }
0xa8: {  	[bflag:$0x3] =	sbarrier.arrive $0xFFFF  }
0xa9: {  	_ =	shalt  }

</sc_bundles>
